<compile_context>
chip_gen: v7x
topology: tpu7x:2x2x1
jax: 0.10.2.dev20260603
libtpu: 0.0.44.dev20260713+nightly
codegen_flags: <defaults>
</compile_context>

<pallas_src>
import functools

import jax
import jax.numpy as jnp
from jax import lax
from jax.experimental import pallas as pl
from jax.experimental.pallas import tpu as pltpu
from jax.experimental.pallas import tpu_sc as plsc

NUM_TOKENS = 32768
HIDDEN_DIM = 768
NUM_EXPERTS = 8
TOP_K = 2

_NC = 2
_NS = 16
_L = 16
_NW = _NC * _NS
_TPW = NUM_TOKENS // _NW

_MM_BLK = 4096


def _matmul_body(hs_ref, w_ref, out_ref):
    out_ref[...] = lax.dot_general(
        w_ref[...], hs_ref[...],
        dimension_numbers=(((1,), (1,)), ((), ())),
        preferred_element_type=jnp.float32)


def _router_logits_t(hidden_states, w):
    return pl.pallas_call(
        _matmul_body,
        grid=(NUM_TOKENS // _MM_BLK,),
        in_specs=[
            pl.BlockSpec((_MM_BLK, HIDDEN_DIM), lambda i: (i, 0)),
            pl.BlockSpec((NUM_EXPERTS, HIDDEN_DIM), lambda i: (0, 0)),
        ],
        out_specs=pl.BlockSpec((NUM_EXPERTS, _MM_BLK), lambda i: (0, i)),
        out_shape=jax.ShapeDtypeStruct((NUM_EXPERTS, NUM_TOKENS), jnp.float32),
    )(hidden_states, w)


def _sc_softmax_top2_body(logits_hbm, probs_hbm, idx_hbm, lg_v, pr_v, ix_v):
    wid = lax.axis_index("s") * _NC + lax.axis_index("c")
    base = wid * _TPW
    pltpu.sync_copy(logits_hbm.at[:, pl.ds(base, _TPW)], lg_v)

    cols = [jnp.full((_L,), e, jnp.int32) for e in range(NUM_EXPERTS)]
    neg = jnp.full((_L,), -jnp.inf, jnp.float32)

    def argmax_tree(vals):
        pairs = [(vals[e], cols[e]) for e in range(NUM_EXPERTS)]
        while len(pairs) > 1:
            nxt = []
            for (va, ia), (vb, ib) in zip(pairs[0::2], pairs[1::2]):
                keep = va >= vb
                nxt.append((jnp.where(keep, va, vb), jnp.where(keep, ia, ib)))
            pairs = nxt
        return pairs[0]

    @plsc.parallel_loop(0, _TPW // _L, unroll=2)
    def step(g):
        sl = pl.ds(g * _L, _L)
        l = [lg_v[e, sl] for e in range(NUM_EXPERTS)]

        m, i1 = argmax_tree(l)
        l2 = [jnp.where(i1 == cols[e], neg, l[e]) for e in range(NUM_EXPERTS)]
        m2, i2 = argmax_tree(l2)

        x = [jnp.exp(l[e] - m) for e in range(NUM_EXPERTS)]
        z = ((x[0] + x[1]) + (x[2] + x[3])) + ((x[4] + x[5]) + (x[6] + x[7]))
        p1 = 1.0 / z
        p2 = jnp.exp(m2 - m) * p1

        pr_v[0, sl] = p1
        pr_v[1, sl] = p2
        ix_v[0, sl] = i1
        ix_v[1, sl] = i2

    pltpu.sync_copy(pr_v, probs_hbm.at[:, pl.ds(base, _TPW)])
    pltpu.sync_copy(ix_v, idx_hbm.at[:, pl.ds(base, _TPW)])


@functools.lru_cache(maxsize=1)
def _sc_softmax_top2():
    return pl.kernel(
        _sc_softmax_top2_body,
        out_type=(
            jax.ShapeDtypeStruct((TOP_K, NUM_TOKENS), jnp.float32),
            jax.ShapeDtypeStruct((TOP_K, NUM_TOKENS), jnp.int32),
        ),
        mesh=plsc.VectorSubcoreMesh(core_axis_name="c", subcore_axis_name="s",
                                    num_cores=_NC, num_subcores=_NS),
        scratch_types=[
            pltpu.VMEM((NUM_EXPERTS, _TPW), jnp.float32),
            pltpu.VMEM((TOP_K, _TPW), jnp.float32),
            pltpu.VMEM((TOP_K, _TPW), jnp.int32),
        ],
        compiler_params=pltpu.CompilerParams(needs_layout_passes=False,
                                             disable_semaphore_checks=True),
    )


def kernel(hidden_states, W):
    logits_t = _router_logits_t(hidden_states, W)
    probs_t, idx_t = _sc_softmax_top2()(logits_t)
    return (probs_t.T, idx_t.T)

# --- scband reference (transcript-rebuilt; emitter-appended) ---
"""Pipeline reference for scband-router-70446053589280 (READ-ONLY COPY).

The authoritative reference and input builder live on the scoring server;
editing this copy changes nothing except your own understanding.
"""

import jax, jax.numpy as jnp
import numpy as np

HIDDEN_DIM = 768
NUM_EXPERTS = 8
TOP_K = 2
NUM_TOKENS = 32768

def setup_inputs(seed: int = 0) -> dict:
    key = jax.random.key(seed)
    k1, k2 = jax.random.split(key)
    hidden_states = jax.random.normal(k1, (NUM_TOKENS, HIDDEN_DIM), dtype=jnp.float32)
    # nn.Linear(hidden_dim, num_experts, bias=False) weight has shape [num_experts, hidden_dim]
    W = jax.random.normal(k2, (NUM_EXPERTS, HIDDEN_DIM), dtype=jnp.float32) * (0.01 / np.sqrt(HIDDEN_DIM))
    return {"hidden_states": hidden_states, "W": W}

def reference(hidden_states, W):
    # router_logits = self.router(hidden_states)  (Linear, no bias)
    router_logits = hidden_states @ W.T
    # probs = F.softmax(router_logits, dim=-1)
    probs = jax.nn.softmax(router_logits, axis=-1)
    # probs, indices = torch.topk(probs, top_k, dim=-1)
    top_probs, indices = jax.lax.top_k(probs, TOP_K)
    return (top_probs, indices)

if __name__ == "__main__":
    import jax
    _d = setup_inputs()
    print(jax.jit(kernel)(*tuple(_d.values())))

</pallas_src>

<mosaic_0001>
#map = affine_map<(d0, d1) -> (0, 0)>
module attributes {stable_mosaic.version = 14 : i64} {
  func.func @_sc_softmax_top2_body(%arg0: i32, %arg1: i32, %arg2: memref<8x32768xf32, #tpu.memory_space<hbm>>, %arg3: memref<2x32768xf32, #tpu.memory_space<hbm>>, %arg4: memref<2x32768xi32, #tpu.memory_space<hbm>>, %arg5: memref<8x1024xf32, #tpu.memory_space<vmem>>, %arg6: memref<2x1024xf32, #tpu.memory_space<vmem>>, %arg7: memref<2x1024xi32, #tpu.memory_space<vmem>>) attributes {dimension_semantics = [#tpu.dimension_semantics<core_parallel>, #tpu.dimension_semantics<subcore_parallel>], iteration_bounds = array<i64: 2, 16>, scalar_prefetch = 0 : i64, scratch_operands = 3 : i64, tpu.core_type = #tpu.core_type<sc_vector_subcore>, window_params = [{transform_indices = #map}, {transform_indices = #map}, {transform_indices = #map}]} {
    %mul3A = arith.constant 2 : i32
    %mul3A_0 = arith.muli %arg1, %mul3A : i32
    %add3A = arith.addi %mul3A_0, %arg0 : i32
    %mul3A_1 = arith.constant 1024 : i32
    %mul3A_2 = arith.muli %add3A, %mul3A_1 : i32
    "tpu.region"() ({
      %run_scoped3A = tpu.sem_alloc : memref<!tpu.dma_semaphore, #tpu.memory_space<semaphore_mem>>
      %dma_start3A = arith.constant 0 : i32
      %dma_start3A_22 = tpu.memref_slice %arg2[%dma_start3A, %mul3A_2] : memref<8x32768xf32, #tpu.memory_space<hbm>> -> memref<8x1024xf32, #tpu.memory_space<hbm>>
      %dma_start3A_23 = arith.constant 0 : i32
      %dma_start3A_24 = tpu.memref_slice %arg2[%dma_start3A_23, %mul3A_2] : memref<8x32768xf32, #tpu.memory_space<hbm>> -> memref<8x1024xf32, #tpu.memory_space<hbm>>
      tpu.enqueue_dma source(%dma_start3A_24 : memref<8x1024xf32, #tpu.memory_space<hbm>>) target(%arg5 : memref<8x1024xf32, #tpu.memory_space<vmem>>) target_semaphore(%run_scoped3A : memref<!tpu.dma_semaphore, #tpu.memory_space<semaphore_mem>>)
      %dma_wait3A = arith.constant 0 : i32
      %dma_wait3A_25 = tpu.memref_slice %arg2[%dma_wait3A, %mul3A_2] : memref<8x32768xf32, #tpu.memory_space<hbm>> -> memref<8x1024xf32, #tpu.memory_space<hbm>>
      %dma_wait3A_26 = arith.constant 0 : i32
      %dma_wait3A_27 = tpu.memref_slice %arg2[%dma_wait3A_26, %mul3A_2] : memref<8x32768xf32, #tpu.memory_space<hbm>> -> memref<8x1024xf32, #tpu.memory_space<hbm>>
      tpu.wait_dma2 semaphore(%run_scoped3A : memref<!tpu.dma_semaphore, #tpu.memory_space<semaphore_mem>>) src(%dma_wait3A_27 : memref<8x1024xf32, #tpu.memory_space<hbm>>) dst(%arg5 : memref<8x1024xf32, #tpu.memory_space<vmem>>)
      tpu.yield
    }) : () -> ()
    %broadcast_in_dim3A = arith.constant 0 : i32
    %broadcast_in_dim3A_3 = vector.broadcast %broadcast_in_dim3A : i32 to vector<16xi32>
    %broadcast_in_dim3A_4 = arith.constant 1 : i32
    %broadcast_in_dim3A_5 = vector.broadcast %broadcast_in_dim3A_4 : i32 to vector<16xi32>
    %broadcast_in_dim3A_6 = arith.constant 2 : i32
    %broadcast_in_dim3A_7 = vector.broadcast %broadcast_in_dim3A_6 : i32 to vector<16xi32>
    %broadcast_in_dim3A_8 = arith.constant 3 : i32
    %broadcast_in_dim3A_9 = vector.broadcast %broadcast_in_dim3A_8 : i32 to vector<16xi32>
    %broadcast_in_dim3A_10 = arith.constant 4 : i32
    %broadcast_in_dim3A_11 = vector.broadcast %broadcast_in_dim3A_10 : i32 to vector<16xi32>
    %broadcast_in_dim3A_12 = arith.constant 5 : i32
    %broadcast_in_dim3A_13 = vector.broadcast %broadcast_in_dim3A_12 : i32 to vector<16xi32>
    %broadcast_in_dim3A_14 = arith.constant 6 : i32
    %broadcast_in_dim3A_15 = vector.broadcast %broadcast_in_dim3A_14 : i32 to vector<16xi32>
    %broadcast_in_dim3A_16 = arith.constant 7 : i32
    %broadcast_in_dim3A_17 = vector.broadcast %broadcast_in_dim3A_16 : i32 to vector<16xi32>
    %broadcast_in_dim3A_18 = arith.constant 0xFF800000 : f32
    %broadcast_in_dim3A_19 = vector.broadcast %broadcast_in_dim3A_18 : f32 to vector<16xf32>
    %parallel_loop3A = arith.constant 0 : i32
    %parallel_loop3A_20 = arith.constant 64 : i32
    %parallel_loop3A_21 = arith.constant 1 : i32
    scf.for %parallel_loop3A_22 = %parallel_loop3A to %parallel_loop3A_20 step %parallel_loop3A_21  : i32 {
      %parallel_loop3A_23 = arith.constant 16 : i32
      %parallel_loop3A_24 = arith.muli %parallel_loop3A_22, %parallel_loop3A_23 : i32
      %parallel_loop3A_25 = arith.constant 0 : i32
      %parallel_loop3A_26 = arith.index_cast %parallel_loop3A_25 : i32 to index
      %parallel_loop3A_27 = arith.index_cast %parallel_loop3A_24 : i32 to index
      %parallel_loop3A_28 = tpu.vector_load %arg5[%parallel_loop3A_26, %parallel_loop3A_27] {strides = array<i32>} : memref<8x1024xf32, #tpu.memory_space<vmem>>, vector<16xf32>,
      %parallel_loop3A_29 = arith.constant 1 : i32
      %parallel_loop3A_30 = arith.index_cast %parallel_loop3A_29 : i32 to index
      %parallel_loop3A_31 = arith.index_cast %parallel_loop3A_24 : i32 to index
      %parallel_loop3A_32 = tpu.vector_load %arg5[%parallel_loop3A_30, %parallel_loop3A_31] {strides = array<i32>} : memref<8x1024xf32, #tpu.memory_space<vmem>>, vector<16xf32>,
      %parallel_loop3A_33 = arith.constant 2 : i32
      %parallel_loop3A_34 = arith.index_cast %parallel_loop3A_33 : i32 to index
      %parallel_loop3A_35 = arith.index_cast %parallel_loop3A_24 : i32 to index
      %parallel_loop3A_36 = tpu.vector_load %arg5[%parallel_loop3A_34, %parallel_loop3A_35] {strides = array<i32>} : memref<8x1024xf32, #tpu.memory_space<vmem>>, vector<16xf32>,
      %parallel_loop3A_37 = arith.constant 3 : i32
      %parallel_loop3A_38 = arith.index_cast %parallel_loop3A_37 : i32 to index
      %parallel_loop3A_39 = arith.index_cast %parallel_loop3A_24 : i32 to index
      %parallel_loop3A_40 = tpu.vector_load %arg5[%parallel_loop3A_38, %parallel_loop3A_39] {strides = array<i32>} : memref<8x1024xf32, #tpu.memory_space<vmem>>, vector<16xf32>,
      %parallel_loop3A_41 = arith.constant 4 : i32
      %parallel_loop3A_42 = arith.index_cast %parallel_loop3A_41 : i32 to index
      %parallel_loop3A_43 = arith.index_cast %parallel_loop3A_24 : i32 to index
      %parallel_loop3A_44 = tpu.vector_load %arg5[%parallel_loop3A_42, %parallel_loop3A_43] {strides = array<i32>} : memref<8x1024xf32, #tpu.memory_space<vmem>>, vector<16xf32>,
      %parallel_loop3A_45 = arith.constant 5 : i32
      %parallel_loop3A_46 = arith.index_cast %parallel_loop3A_45 : i32 to index
      %parallel_loop3A_47 = arith.index_cast %parallel_loop3A_24 : i32 to index
      %parallel_loop3A_48 = tpu.vector_load %arg5[%parallel_loop3A_46, %parallel_loop3A_47] {strides = array<i32>} : memref<8x1024xf32, #tpu.memory_space<vmem>>, vector<16xf32>,
      %parallel_loop3A_49 = arith.constant 6 : i32
      %parallel_loop3A_50 = arith.index_cast %parallel_loop3A_49 : i32 to index
      %parallel_loop3A_51 = arith.index_cast %parallel_loop3A_24 : i32 to index
      %parallel_loop3A_52 = tpu.vector_load %arg5[%parallel_loop3A_50, %parallel_loop3A_51] {strides = array<i32>} : memref<8x1024xf32, #tpu.memory_space<vmem>>, vector<16xf32>,
      %parallel_loop3A_53 = arith.constant 7 : i32
      %parallel_loop3A_54 = arith.index_cast %parallel_loop3A_53 : i32 to index
      %parallel_loop3A_55 = arith.index_cast %parallel_loop3A_24 : i32 to index
      %parallel_loop3A_56 = tpu.vector_load %arg5[%parallel_loop3A_54, %parallel_loop3A_55] {strides = array<i32>} : memref<8x1024xf32, #tpu.memory_space<vmem>>, vector<16xf32>,
      %parallel_loop3A_57 = arith.cmpf oge, %parallel_loop3A_28, %parallel_loop3A_32 : vector<16xf32>
      %parallel_loop3A_58 = arith.select %parallel_loop3A_57, %parallel_loop3A_28, %parallel_loop3A_32 : vector<16xi1>, vector<16xf32>
      %parallel_loop3A_59 = arith.select %parallel_loop3A_57, %broadcast_in_dim3A_3, %broadcast_in_dim3A_5 : vector<16xi1>, vector<16xi32>
      %parallel_loop3A_60 = arith.cmpf oge, %parallel_loop3A_36, %parallel_loop3A_40 : vector<16xf32>
      %parallel_loop3A_61 = arith.select %parallel_loop3A_60, %parallel_loop3A_36, %parallel_loop3A_40 : vector<16xi1>, vector<16xf32>
      %parallel_loop3A_62 = arith.select %parallel_loop3A_60, %broadcast_in_dim3A_7, %broadcast_in_dim3A_9 : vector<16xi1>, vector<16xi32>
      %parallel_loop3A_63 = arith.cmpf oge, %parallel_loop3A_44, %parallel_loop3A_48 : vector<16xf32>
      %parallel_loop3A_64 = arith.select %parallel_loop3A_63, %parallel_loop3A_44, %parallel_loop3A_48 : vector<16xi1>, vector<16xf32>
      %parallel_loop3A_65 = arith.select %parallel_loop3A_63, %broadcast_in_dim3A_11, %broadcast_in_dim3A_13 : vector<16xi1>, vector<16xi32>
      %parallel_loop3A_66 = arith.cmpf oge, %parallel_loop3A_52, %parallel_loop3A_56 : vector<16xf32>
      %parallel_loop3A_67 = arith.select %parallel_loop3A_66, %parallel_loop3A_52, %parallel_loop3A_56 : vector<16xi1>, vector<16xf32>
      %parallel_loop3A_68 = arith.select %parallel_loop3A_66, %broadcast_in_dim3A_15, %broadcast_in_dim3A_17 : vector<16xi1>, vector<16xi32>
      %parallel_loop3A_69 = arith.cmpf oge, %parallel_loop3A_58, %parallel_loop3A_61 : vector<16xf32>
      %parallel_loop3A_70 = arith.select %parallel_loop3A_69, %parallel_loop3A_58, %parallel_loop3A_61 : vector<16xi1>, vector<16xf32>
      %parallel_loop3A_71 = arith.select %parallel_loop3A_69, %parallel_loop3A_59, %parallel_loop3A_62 : vector<16xi1>, vector<16xi32>
      %parallel_loop3A_72 = arith.cmpf oge, %parallel_loop3A_64, %parallel_loop3A_67 : vector<16xf32>
      %parallel_loop3A_73 = arith.select %parallel_loop3A_72, %parallel_loop3A_64, %parallel_loop3A_67 : vector<16xi1>, vector<16xf32>
      %parallel_loop3A_74 = arith.select %parallel_loop3A_72, %parallel_loop3A_65, %parallel_loop3A_68 : vector<16xi1>, vector<16xi32>
      %parallel_loop3A_75 = arith.cmpf oge, %parallel_loop3A_70, %parallel_loop3A_73 : vector<16xf32>
      %parallel_loop3A_76 = arith.select %parallel_loop3A_75, %parallel_loop3A_70, %parallel_loop3A_73 : vector<16xi1>, vector<16xf32>
      %parallel_loop3A_77 = arith.select %parallel_loop3A_75, %parallel_loop3A_71, %parallel_loop3A_74 : vector<16xi1>, vector<16xi32>
      %parallel_loop3A_78 = arith.cmpi eq, %parallel_loop3A_77, %broadcast_in_dim3A_3 : vector<16xi32>
      %parallel_loop3A_79 = arith.select %parallel_loop3A_78, %broadcast_in_dim3A_19, %parallel_loop3A_28 : vector<16xi1>, vector<16xf32>
      %parallel_loop3A_80 = arith.cmpi eq, %parallel_loop3A_77, %broadcast_in_dim3A_5 : vector<16xi32>
      %parallel_loop3A_81 = arith.select %parallel_loop3A_80, %broadcast_in_dim3A_19, %parallel_loop3A_32 : vector<16xi1>, vector<16xf32>
      %parallel_loop3A_82 = arith.cmpi eq, %parallel_loop3A_77, %broadcast_in_dim3A_7 : vector<16xi32>
      %parallel_loop3A_83 = arith.select %parallel_loop3A_82, %broadcast_in_dim3A_19, %parallel_loop3A_36 : vector<16xi1>, vector<16xf32>
      %parallel_loop3A_84 = arith.cmpi eq, %parallel_loop3A_77, %broadcast_in_dim3A_9 : vector<16xi32>
      %parallel_loop3A_85 = arith.select %parallel_loop3A_84, %broadcast_in_dim3A_19, %parallel_loop3A_40 : vector<16xi1>, vector<16xf32>
      %parallel_loop3A_86 = arith.cmpi eq, %parallel_loop3A_77, %broadcast_in_dim3A_11 : vector<16xi32>
      %parallel_loop3A_87 = arith.select %parallel_loop3A_86, %broadcast_in_dim3A_19, %parallel_loop3A_44 : vector<16xi1>, vector<16xf32>
      %parallel_loop3A_88 = arith.cmpi eq, %parallel_loop3A_77, %broadcast_in_dim3A_13 : vector<16xi32>
      %parallel_loop3A_89 = arith.select %parallel_loop3A_88, %broadcast_in_dim3A_19, %parallel_loop3A_48 : vector<16xi1>, vector<16xf32>
      %parallel_loop3A_90 = arith.cmpi eq, %parallel_loop3A_77, %broadcast_in_dim3A_15 : vector<16xi32>
      %parallel_loop3A_91 = arith.select %parallel_loop3A_90, %broadcast_in_dim3A_19, %parallel_loop3A_52 : vector<16xi1>, vector<16xf32>
      %parallel_loop3A_92 = arith.cmpi eq, %parallel_loop3A_77, %broadcast_in_dim3A_17 : vector<16xi32>
      %parallel_loop3A_93 = arith.select %parallel_loop3A_92, %broadcast_in_dim3A_19, %parallel_loop3A_56 : vector<16xi1>, vector<16xf32>
      %parallel_loop3A_94 = arith.cmpf oge, %parallel_loop3A_79, %parallel_loop3A_81 : vector<16xf32>
      %parallel_loop3A_95 = arith.select %parallel_loop3A_94, %parallel_loop3A_79, %parallel_loop3A_81 : vector<16xi1>, vector<16xf32>
      %parallel_loop3A_96 = arith.select %parallel_loop3A_94, %broadcast_in_dim3A_3, %broadcast_in_dim3A_5 : vector<16xi1>, vector<16xi32>
      %parallel_loop3A_97 = arith.cmpf oge, %parallel_loop3A_83, %parallel_loop3A_85 : vector<16xf32>
      %parallel_loop3A_98 = arith.select %parallel_loop3A_97, %parallel_loop3A_83, %parallel_loop3A_85 : vector<16xi1>, vector<16xf32>
      %parallel_loop3A_99 = arith.select %parallel_loop3A_97, %broadcast_in_dim3A_7, %broadcast_in_dim3A_9 : vector<16xi1>, vector<16xi32>
      %parallel_loop3A_100 = arith.cmpf oge, %parallel_loop3A_87, %parallel_loop3A_89 : vector<16xf32>
      %parallel_loop3A_101 = arith.select %parallel_loop3A_100, %parallel_loop3A_87, %parallel_loop3A_89 : vector<16xi1>, vector<16xf32>
      %parallel_loop3A_102 = arith.select %parallel_loop3A_100, %broadcast_in_dim3A_11, %broadcast_in_dim3A_13 : vector<16xi1>, vector<16xi32>
      %parallel_loop3A_103 = arith.cmpf oge, %parallel_loop3A_91, %parallel_loop3A_93 : vector<16xf32>
      %parallel_loop3A_104 = arith.select %parallel_loop3A_103, %parallel_loop3A_91, %parallel_loop3A_93 : vector<16xi1>, vector<16xf32>
      %parallel_loop3A_105 = arith.select %parallel_loop3A_103, %broadcast_in_dim3A_15, %broadcast_in_dim3A_17 : vector<16xi1>, vector<16xi32>
      %parallel_loop3A_106 = arith.cmpf oge, %parallel_loop3A_95, %parallel_loop3A_98 : vector<16xf32>
      %parallel_loop3A_107 = arith.select %parallel_loop3A_106, %parallel_loop3A_95, %parallel_loop3A_98 : vector<16xi1>, vector<16xf32>
      %parallel_loop3A_108 = arith.select %parallel_loop3A_106, %parallel_loop3A_96, %parallel_loop3A_99 : vector<16xi1>, vector<16xi32>
      %parallel_loop3A_109 = arith.cmpf oge, %parallel_loop3A_101, %parallel_loop3A_104 : vector<16xf32>
      %parallel_loop3A_110 = arith.select %parallel_loop3A_109, %parallel_loop3A_101, %parallel_loop3A_104 : vector<16xi1>, vector<16xf32>
      %parallel_loop3A_111 = arith.select %parallel_loop3A_109, %parallel_loop3A_102, %parallel_loop3A_105 : vector<16xi1>, vector<16xi32>
      %parallel_loop3A_112 = arith.cmpf oge, %parallel_loop3A_107, %parallel_loop3A_110 : vector<16xf32>
      %parallel_loop3A_113 = arith.select %parallel_loop3A_112, %parallel_loop3A_107, %parallel_loop3A_110 : vector<16xi1>, vector<16xf32>
      %parallel_loop3A_114 = arith.select %parallel_loop3A_112, %parallel_loop3A_108, %parallel_loop3A_111 : vector<16xi1>, vector<16xi32>
      %parallel_loop3A_115 = arith.subf %parallel_loop3A_28, %parallel_loop3A_76 : vector<16xf32>
      %parallel_loop3A_116 = math.exp %parallel_loop3A_115 : vector<16xf32>
      %parallel_loop3A_117 = arith.subf %parallel_loop3A_32, %parallel_loop3A_76 : vector<16xf32>
      %parallel_loop3A_118 = math.exp %parallel_loop3A_117 : vector<16xf32>
      %parallel_loop3A_119 = arith.subf %parallel_loop3A_36, %parallel_loop3A_76 : vector<16xf32>
      %parallel_loop3A_120 = math.exp %parallel_loop3A_119 : vector<16xf32>
      %parallel_loop3A_121 = arith.subf %parallel_loop3A_40, %parallel_loop3A_76 : vector<16xf32>
      %parallel_loop3A_122 = math.exp %parallel_loop3A_121 : vector<16xf32>
      %parallel_loop3A_123 = arith.subf %parallel_loop3A_44, %parallel_loop3A_76 : vector<16xf32>
      %parallel_loop3A_124 = math.exp %parallel_loop3A_123 : vector<16xf32>
      %parallel_loop3A_125 = arith.subf %parallel_loop3A_48, %parallel_loop3A_76 : vector<16xf32>
      %parallel_loop3A_126 = math.exp %parallel_loop3A_125 : vector<16xf32>
      %parallel_loop3A_127 = arith.subf %parallel_loop3A_52, %parallel_loop3A_76 : vector<16xf32>
      %parallel_loop3A_128 = math.exp %parallel_loop3A_127 : vector<16xf32>
      %parallel_loop3A_129 = arith.subf %parallel_loop3A_56, %parallel_loop3A_76 : vector<16xf32>
      %parallel_loop3A_130 = math.exp %parallel_loop3A_129 : vector<16xf32>
      %parallel_loop3A_131 = arith.addf %parallel_loop3A_116, %parallel_loop3A_118 : vector<16xf32>
      %parallel_loop3A_132 = arith.addf %parallel_loop3A_120, %parallel_loop3A_122 : vector<16xf32>
      %parallel_loop3A_133 = arith.addf %parallel_loop3A_131, %parallel_loop3A_132 : vector<16xf32>
      %parallel_loop3A_134 = arith.addf %parallel_loop3A_124, %parallel_loop3A_126 : vector<16xf32>
      %parallel_loop3A_135 = arith.addf %parallel_loop3A_128, %parallel_loop3A_130 : vector<16xf32>
      %parallel_loop3A_136 = arith.addf %parallel_loop3A_134, %parallel_loop3A_135 : vector<16xf32>
      %parallel_loop3A_137 = arith.addf %parallel_loop3A_133, %parallel_loop3A_136 : vector<16xf32>
      %parallel_loop3A_138 = arith.constant 1.000000e+00 : f32
      %parallel_loop3A_139 = vector.broadcast %parallel_loop3A_138 : f32 to vector<16xf32>
      %parallel_loop3A_140 = arith.divf %parallel_loop3A_139, %parallel_loop3A_137 : vector<16xf32>
      %parallel_loop3A_141 = arith.subf %parallel_loop3A_113, %parallel_loop3A_76 : vector<16xf32>
      %parallel_loop3A_142 = math.exp %parallel_loop3A_141 : vector<16xf32>
      %parallel_loop3A_143 = arith.mulf %parallel_loop3A_142, %parallel_loop3A_140 : vector<16xf32>
      %parallel_loop3A_144 = arith.constant 0 : i32
      %parallel_loop3A_145 = arith.index_cast %parallel_loop3A_144 : i32 to index
      %parallel_loop3A_146 = arith.index_cast %parallel_loop3A_24 : i32 to index
      %parallel_loop3A_147 = tpu.vector_load %arg6[%parallel_loop3A_145, %parallel_loop3A_146] {strides = array<i32>} : memref<2x1024xf32, #tpu.memory_space<vmem>>, vector<16xf32>,
      tpu.vector_store %arg6[%parallel_loop3A_145, %parallel_loop3A_146], %parallel_loop3A_140 {strides = array<i32>} : memref<2x1024xf32, #tpu.memory_space<vmem>>, vector<16xf32>,
      %parallel_loop3A_148 = arith.constant 1 : i32
      %parallel_loop3A_149 = arith.index_cast %parallel_loop3A_148 : i32 to index
      %parallel_loop3A_150 = arith.index_cast %parallel_loop3A_24 : i32 to index
      %parallel_loop3A_151 = tpu.vector_load %arg6[%parallel_loop3A_149, %parallel_loop3A_150] {strides = array<i32>} : memref<2x1024xf32, #tpu.memory_space<vmem>>, vector<16xf32>,
      tpu.vector_store %arg6[%parallel_loop3A_149, %parallel_loop3A_150], %parallel_loop3A_143 {strides = array<i32>} : memref<2x1024xf32, #tpu.memory_space<vmem>>, vector<16xf32>,
      %parallel_loop3A_152 = arith.constant 0 : i32
      %parallel_loop3A_153 = arith.index_cast %parallel_loop3A_152 : i32 to index
      %parallel_loop3A_154 = arith.index_cast %parallel_loop3A_24 : i32 to index
      %parallel_loop3A_155 = tpu.vector_load %arg7[%parallel_loop3A_153, %parallel_loop3A_154] {strides = array<i32>} : memref<2x1024xi32, #tpu.memory_space<vmem>>, vector<16xi32>,
      tpu.vector_store %arg7[%parallel_loop3A_153, %parallel_loop3A_154], %parallel_loop3A_77 {strides = array<i32>} : memref<2x1024xi32, #tpu.memory_space<vmem>>, vector<16xi32>,
      %parallel_loop3A_156 = arith.constant 1 : i32
      %parallel_loop3A_157 = arith.index_cast %parallel_loop3A_156 : i32 to index
      %parallel_loop3A_158 = arith.index_cast %parallel_loop3A_24 : i32 to index
      %parallel_loop3A_159 = tpu.vector_load %arg7[%parallel_loop3A_157, %parallel_loop3A_158] {strides = array<i32>} : memref<2x1024xi32, #tpu.memory_space<vmem>>, vector<16xi32>,
      tpu.vector_store %arg7[%parallel_loop3A_157, %parallel_loop3A_158], %parallel_loop3A_114 {strides = array<i32>} : memref<2x1024xi32, #tpu.memory_space<vmem>>, vector<16xi32>,
    } {sc.loop_unroll_factor = 2 : i64, sc.parallel_access}
    "tpu.region"() ({
      %run_scoped3A = tpu.sem_alloc : memref<!tpu.dma_semaphore, #tpu.memory_space<semaphore_mem>>
      %dma_start3A = arith.constant 0 : i32
      %dma_start3A_22 = tpu.memref_slice %arg3[%dma_start3A, %mul3A_2] : memref<2x32768xf32, #tpu.memory_space<hbm>> -> memref<2x1024xf32, #tpu.memory_space<hbm>>
      %dma_start3A_23 = arith.constant 0 : i32
      %dma_start3A_24 = tpu.memref_slice %arg3[%dma_start3A_23, %mul3A_2] : memref<2x32768xf32, #tpu.memory_space<hbm>> -> memref<2x1024xf32, #tpu.memory_space<hbm>>
      tpu.enqueue_dma source(%arg6 : memref<2x1024xf32, #tpu.memory_space<vmem>>) target(%dma_start3A_24 : memref<2x1024xf32, #tpu.memory_space<hbm>>) target_semaphore(%run_scoped3A : memref<!tpu.dma_semaphore, #tpu.memory_space<semaphore_mem>>)
      %dma_wait3A = arith.constant 0 : i32
      %dma_wait3A_25 = tpu.memref_slice %arg3[%dma_wait3A, %mul3A_2] : memref<2x32768xf32, #tpu.memory_space<hbm>> -> memref<2x1024xf32, #tpu.memory_space<hbm>>
      %dma_wait3A_26 = arith.constant 0 : i32
      %dma_wait3A_27 = tpu.memref_slice %arg3[%dma_wait3A_26, %mul3A_2] : memref<2x32768xf32, #tpu.memory_space<hbm>> -> memref<2x1024xf32, #tpu.memory_space<hbm>>
      tpu.wait_dma2 semaphore(%run_scoped3A : memref<!tpu.dma_semaphore, #tpu.memory_space<semaphore_mem>>) src(%arg6 : memref<2x1024xf32, #tpu.memory_space<vmem>>) dst(%dma_wait3A_27 : memref<2x1024xf32, #tpu.memory_space<hbm>>)
      tpu.yield
    }) : () -> ()
    "tpu.region"() ({
      %run_scoped3A = tpu.sem_alloc : memref<!tpu.dma_semaphore, #tpu.memory_space<semaphore_mem>>
      %dma_start3A = arith.constant 0 : i32
      %dma_start3A_22 = tpu.memref_slice %arg4[%dma_start3A, %mul3A_2] : memref<2x32768xi32, #tpu.memory_space<hbm>> -> memref<2x1024xi32, #tpu.memory_space<hbm>>
      %dma_start3A_23 = arith.constant 0 : i32
      %dma_start3A_24 = tpu.memref_slice %arg4[%dma_start3A_23, %mul3A_2] : memref<2x32768xi32, #tpu.memory_space<hbm>> -> memref<2x1024xi32, #tpu.memory_space<hbm>>
      tpu.enqueue_dma source(%arg7 : memref<2x1024xi32, #tpu.memory_space<vmem>>) target(%dma_start3A_24 : memref<2x1024xi32, #tpu.memory_space<hbm>>) target_semaphore(%run_scoped3A : memref<!tpu.dma_semaphore, #tpu.memory_space<semaphore_mem>>)
      %dma_wait3A = arith.constant 0 : i32
      %dma_wait3A_25 = tpu.memref_slice %arg4[%dma_wait3A, %mul3A_2] : memref<2x32768xi32, #tpu.memory_space<hbm>> -> memref<2x1024xi32, #tpu.memory_space<hbm>>
      %dma_wait3A_26 = arith.constant 0 : i32
      %dma_wait3A_27 = tpu.memref_slice %arg4[%dma_wait3A_26, %mul3A_2] : memref<2x32768xi32, #tpu.memory_space<hbm>> -> memref<2x1024xi32, #tpu.memory_space<hbm>>
      tpu.wait_dma2 semaphore(%run_scoped3A : memref<!tpu.dma_semaphore, #tpu.memory_space<semaphore_mem>>) src(%arg7 : memref<2x1024xi32, #tpu.memory_space<vmem>>) dst(%dma_wait3A_27 : memref<2x1024xi32, #tpu.memory_space<hbm>>)
      tpu.yield
    }) : () -> ()
    return
  }
}

module attributes {stable_mosaic.version = 14 : i64} {
  func.func @_matmul_body(%arg0: i32, %arg1: memref<4096x768xf32, #tpu.memory_space<vmem>>, %arg2: memref<8x768xf32, #tpu.memory_space<vmem>>, %arg3: memref<8x4096xf32, #tpu.memory_space<vmem>>) attributes {dimension_semantics = [#tpu.dimension_semantics<arbitrary>], iteration_bounds = array<i64: 8>, scalar_prefetch = 0 : i64, scratch_operands = 0 : i64, tpu.core_type = #tpu.core_type<tc>, window_params = [{transform_indices = @transform_0, window_bounds = array<i64: 4096, 768>}, {pipeline_mode = #tpu.pipeline_mode<synchronous>, transform_indices = @transform_1, window_bounds = array<i64: 8, 768>}, {transform_indices = @transform_2, window_bounds = array<i64: 8, 4096>}]} {
    %get3A = arith.constant 0 : index
    %get3A_0 = arith.constant 0 : index
    %get3A_1 = vector.load %arg2[%get3A, %get3A_0] : memref<8x768xf32, #tpu.memory_space<vmem>>, vector<8x768xf32>
    %get3A_2 = arith.constant 0 : index
    %get3A_3 = arith.constant 0 : index
    %get3A_4 = vector.load %arg1[%get3A_2, %get3A_3] : memref<4096x768xf32, #tpu.memory_space<vmem>>, vector<4096x768xf32>
    %dot_general3A = arith.constant dense<0.000000e+00> : vector<8x4096xf32>
    %dot_general3A_5 = tpu.matmul %get3A_1, %get3A_4, %dot_general3A {dimension_numbers = #tpu.dot_dimension_numbers<[1], [1], [0], [0], [0, 0, 1, 0], [], []>, transpose_lhs_hint = false} : vector<8x768xf32>, vector<4096x768xf32>, vector<8x4096xf32> -> vector<8x4096xf32>
    %swap3A = arith.constant 0 : index
    %swap3A_6 = arith.constant 0 : index
    %swap3A_7 = vector.load %arg3[%swap3A, %swap3A_6] : memref<8x4096xf32, #tpu.memory_space<vmem>>, vector<8x4096xf32>
    tpu.vector_store %arg3[%swap3A, %swap3A_6], %dot_general3A_5 {strides = array<i32>} : memref<8x4096xf32, #tpu.memory_space<vmem>>, vector<8x4096xf32>,
    return
  }
  func.func @transform_0(%arg0: i32) -> (i32, i32) {
    %c0_i32 = arith.constant 0 : i32
    %c0_i32_0 = arith.constant 0 : i32
    return %arg0, %c0_i32 : i32, i32
  }
  func.func @transform_1(%arg0: i32) -> (i32, i32) {
    %c0_i32 = arith.constant 0 : i32
    %c0_i32_0 = arith.constant 0 : i32
    %c0_i32_1 = arith.constant 0 : i32
    return %c0_i32, %c0_i32_0 : i32, i32
  }
  func.func @transform_2(%arg0: i32) -> (i32, i32) {
    %c0_i32 = arith.constant 0 : i32
    %c0_i32_0 = arith.constant 0 : i32
    return %c0_i32, %arg0 : i32, i32
  }
}

</mosaic_0001>

<sc_bundles>
// kernel: kernel.4.cloned.1.call-start
scs
__scs_entry_jumppad:
0x0: {  	(pc) =	sbr.rel $0x88, $3  }
0x1: {  	(tag) =	ssettag $0x0;
	lr =	simm.s32 $0x1  }
0x2: {  	[smem:$0x3F9F] =	sst lr;
	_ =	strace $0xD0000000  }
0x3: {  	_ = 	snop  }
0x4: {  	_ = 	snop  }
0x5: {  	_ = 	snop  }
0x6: {  	_ = 	snop  }
0x7: {  	_ = 	snop  }
__scs_overlays_trampoline_lowered:
0x8: {  	[smem:$0x3FAE] =	sst s0  }
0x9: {  	[smem:$0x3FAF] =	sst s1  }
0xa: {  	[smem:$0x3FB0] =	sst s2  }
0xb: {  	[smem:$0x3FB1] =	sst s3  }
0xc: {  	[smem:$0x3FB2] =	sst s4  }
0xd: {  	[smem:$0x3FB3] =	sst s5  }
0xe: {  	[smem:$0x3FB4] =	sst s6  }
0xf: {  	[smem:$0x3FB5] =	sst s7  }
0x10: {  	[smem:$0x3FB6] =	sst s8  }
0x11: {  	[smem:$0x3FB7] =	sst s9;
	s0 =	simm.s32 @!p0 $0x0  }
0x12: {  	s1 =	sld [smem:$0x3F9D];
	s0 =	simm.s32 @p0 $0x1  }
0x13: {  	[smem:$0x3FB8] =	sst s0;
	s0 =	simm.s32 @!p1 $0x0  }
0x14: {  	s2 =	sld [smem:$0x3F9C];
	s0 =	simm.s32 @p1 $0x1  }
0x15: {  	[smem:$0x3FB9] =	sst s0;
	s0 =	simm.s32 @!p2 $0x0  }
0x16: {  	s3 =	sld [smem:$0x3FDB];
	s0 =	simm.s32 @p2 $0x1  }
0x17: {  	s4 =	simm.s32 $0x1BF5;
	[smem:$0x3FBB] =	sst s0  }
0x18: {  	s0 =	sld [smem:$0x3F9E];
	_ =	swait.ge [sflag:s4], $0x0  }
0x19: {  	s7 =	sld [smem:$0x3F9F]  }
0x1a: {  	s8 =	sadd.s32 $0xFFFFE003, lr  }
0x1b: {  	s9 =	sadd.s32 $0xFFFFFEF7, lr;
	s5 =	simm.s32 $0xFFFFFFFF;
	p2 =	slt.u32 s8, $0xFFFFF086  }
0x1c: {  	p1 =	slt.u32 s9, $0xF7A;
	s5 =	simm.s32 @!p2 $0x0  }
0x1d: {  	s5 =	simm.s32 @p1 $0x1;
	p0 =	seq.s32 s7, s2  }
0x1e: {  	s7 =	smul.u32 @!p0 $0xF7A, s2;
	p2 =	seq.s32 @!p0 s5, $0x0  }
0x1f: {  	s9 =	smul.u32 $0xF7A, s1;
	s8 =	simm.s32 @!p0 $0x1BF5;
	p2 =	por !p2, p0  }
0x20: {  	[sflag:s8] =	ssyncset.s32 @!p0 $0xFFFFF086;
	s6 =	sadd.s32 @!p0 s3, s7;
	s7 =	simm.s32 @!p0 $0x108  }
0x21: {  	s3 =	sadd.s32 s3, s9;
	s6 =	sadd.s32 @!p0 $0x88, s6;
	s7 =	simm.s32 @p2 $0x1082  }
0x22: {  	[simem:s7], [sflag:s8] =	dma.local @!p0 [hbm:s6], $0xF7A  }
0x23: {  	s9 =	sor.u32 $0xD0000000, s2;
	s6 =	simm.s32 $0x108;
	_ =	swait.ge @!p0 [sflag:s8], $0x0  }
0x24: {  	s3 =	sadd.s32 $0x88, s3;
	s6 =	simm.s32 @!p1 $0x1082;
	[sflag:s4] =	ssyncset.s32 $0xFFFFF086  }
0x25: {  	[simem:s6], [sflag:s4] =	dma.local [hbm:s3], $0xF7A  }
0x26: {  	[smem:$0x3F9F] =	sst s1;
	(tag) =	ssettag s2;
	_ =	strace s9  }
0x27: {  	s1 =	sld [smem:$0x3FAF]  }
0x28: {  	s2 =	sld [smem:$0x3FB0]  }
0x29: {  	s4 =	sld [smem:$0x3FB2]  }
0x2a: {  	p0 =	seq.s32 s5, $0x0;
	s5 =	sld [smem:$0x3FB3]  }
0x2b: {  	s6 =	sld [smem:$0x3FB4]  }
0x2c: {  	s7 =	sld [smem:$0x3FB5]  }
0x2d: {  	s3 =	simm.s32 $0x108;
	s8 =	sld [smem:$0x3FB6]  }
0x2e: {  	s3 =	simm.s32 @!p0 $0x1082;
	s9 =	sld [smem:$0x3FB7]  }
0x2f: {  	lr =	sadd.s32 s0, s3;
	s0 =	sld [smem:$0x3FAE]  }
0x30: {  	s3 =	sld [smem:$0x3FB1]  }
0x31: {  	[smem:$0x3FBA] =	sst s10  }
0x32: {  	s10 =	sld [smem:$0x3FB8];
	_ =	sdelay $0x3  }
0x33: {  	p0 =	seq.s32 s10, $0x1;
	s10 =	sld [smem:$0x3FBA];
	_ =	sdelay $0x3  }
0x34: {  	[smem:$0x3FBA] =	sst s10  }
0x35: {  	s10 =	sld [smem:$0x3FB9];
	_ =	sdelay $0x3  }
0x36: {  	p1 =	seq.s32 s10, $0x1;
	s10 =	sld [smem:$0x3FBA];
	_ =	sdelay $0x3  }
0x37: {  	[smem:$0x3FBA] =	sst s10  }
0x38: {  	s10 =	sld [smem:$0x3FBB]  }
0x39: {  	_ = 	snop;
	(pc) =	sbr.ind lr, $3  }
0x3a: {  	_ = 	snop  }
0x3b: {  	_ = 	snop  }
0x3c: {  	p2 =	seq.s32 s10, $0x1;
	s10 =	sld [smem:$0x3FBA]  }
0x3d: {  	_ =	shalt  }
0x3e: {  	_ =	shalt  }
0x3f: {  	_ =	shalt  }
0x40: {  	_ =	shalt  }
0x41: {  	_ =	shalt  }
0x42: {  	_ =	shalt  }
0x43: {  	_ =	shalt  }
0x44: {  	_ =	shalt  }
0x45: {  	_ =	shalt  }
0x46: {  	_ =	shalt  }
0x47: {  	_ =	shalt  }
0x48: {  	_ =	shalt  }
0x49: {  	_ =	shalt  }
0x4a: {  	_ =	shalt  }
0x4b: {  	_ =	shalt  }
0x4c: {  	_ =	shalt  }
0x4d: {  	_ =	shalt  }
0x4e: {  	_ =	shalt  }
0x4f: {  	_ =	shalt  }
0x50: {  	_ =	shalt  }
0x51: {  	_ =	shalt  }
0x52: {  	_ =	shalt  }
0x53: {  	_ =	shalt  }
0x54: {  	_ =	shalt  }
0x55: {  	_ =	shalt  }
0x56: {  	_ =	shalt  }
0x57: {  	_ =	shalt  }
0x58: {  	_ =	shalt  }
0x59: {  	_ =	shalt  }
0x5a: {  	_ =	shalt  }
0x5b: {  	_ =	shalt  }
0x5c: {  	_ =	shalt  }
0x5d: {  	_ =	shalt  }
0x5e: {  	_ =	shalt  }
0x5f: {  	_ =	shalt  }
0x60: {  	_ =	shalt  }
0x61: {  	_ =	shalt  }
0x62: {  	_ =	shalt  }
0x63: {  	_ =	shalt  }
0x64: {  	_ =	shalt  }
0x65: {  	_ =	shalt  }
0x66: {  	_ =	shalt  }
0x67: {  	_ =	shalt  }
0x68: {  	_ =	shalt  }
0x69: {  	_ =	shalt  }
0x6a: {  	_ =	shalt  }
0x6b: {  	_ =	shalt  }
0x6c: {  	_ =	shalt  }
0x6d: {  	_ =	shalt  }
0x6e: {  	_ =	shalt  }
0x6f: {  	_ =	shalt  }
0x70: {  	_ =	shalt  }
0x71: {  	_ =	shalt  }
0x72: {  	_ =	shalt  }
0x73: {  	_ =	shalt  }
0x74: {  	_ =	shalt  }
0x75: {  	_ =	shalt  }
0x76: {  	_ =	shalt  }
0x77: {  	_ =	shalt  }
0x78: {  	_ =	shalt  }
0x79: {  	_ =	shalt  }
0x7a: {  	_ =	shalt  }
0x7b: {  	_ =	shalt  }
0x7c: {  	_ =	shalt  }
0x7d: {  	_ =	shalt  }
0x7e: {  	_ =	shalt  }
0x7f: {  	_ =	shalt  }
0x80: {  	_ =	shalt  }
0x81: {  	_ =	shalt  }
0x82: {  	_ =	shalt  }
0x83: {  	_ =	shalt  }
0x84: {  	_ =	shalt  }
0x85: {  	_ =	shalt  }
0x86: {  	_ =	shalt  }
0x87: {  	_ =	shalt  }
.Lfunc_end0:
.L_simem_size_0:
called_computation_lowered:
.L_overlay_start_0:
0x88: {  	s2 =	sld [smem:$0x3FD9]  }
0x89: {  	s3 =	sld [smem:$0x3FFE];
	_ =	sdelay $0x1  }
0x8a: {  	s1 =	srdreg.scid  }
0x8b: {  	s0 =	sand.u32 $0x1, s1  }
0x8c: {  	s14 =	sshll.u32 s0, $0xA;
	s2 =	sadd.s32 s3, s2  }
0x8d: {  	s2 =	sadd.s32 s2, s14  }
0x8e: {  	[smem:$0x3FC6] =	sst s2  }
0x8f: {  	_ = 	snop  }
0x90: {  	s2 =	sld [smem:$0x3FD0];
	_ =	sdelay $0x2  }
0x91: {  	s15 =	simm.s32 $0xA;
	s4 =	simm.s32 $0x10  }
0x92: {  	[smem:s4], [sflag:s15] =	dma.local [hbm:s2], $0x1  }
0x93: {  	_ =	swait.eq [sflag:s15], $0x1  }
0x94: {  	[sflag:s15] =	ssyncset.done $0x0  }
0x95: {  	s16 =	sld [smem:$0x10];
	[sflag:s15] =	ssyncadd.s32 $0xFFFFFFFF  }
0x96: {  	s17 =	sld [smem:$0x11];
	(tm) =	ssettm $0x1  }
0x97: {  	s18 =	sld [smem:$0x3FFB];
	_ =	sdelay $0x3  }
0x98: {  	_ =	strace s18  }
0x99: {  	s4 =	sld [smem:$0x3FFC];
	_ =	sdelay $0x3  }
0x9a: {  	_ =	strace s4  }
0x9b: {  	s4 =	sld [smem:$0x3FFD];
	_ =	sdelay $0x3  }
0x9c: {  	_ =	strace s4  }
0x9d: {  	_ =	strace $0x8FFFFFFF  }
0x9e: {  	s19 =	sld [smem:$0x3FDB];
	_ =	sdelay $0x1  }
0x9f: {  	s5 =	simm.s32 $_scs_section_size  }
0xa0: {  	s6 =	simm.s32 $_size__tile_overlayer_lowered;
	s7 =	simm.s32 $_tile_overlayer_lowered  }
0xa1: {  	s22 =	simm.s32 $0x1BFF;
	s21 =	sshll.u32 s7, $0x1;
	s4 =	sadd.s32 s5, s19  }
0xa2: {  	s8 =	simm.s32 $0x0;
	s20 =	sshll.u32 s6, $0x1;
	s6 =	sadd.s32 s21, s4  }
0xa3: {  	[timem:s8], [sflag:s22] =	dma.local [hbm:s6], s20  }
0xa4: {  	_ =	swait.ge [sflag:s22], s20  }
0xa5: {  	s5 =	ssub.s32 $0x0, s20;
	[sflag:s22] =	ssyncset.done $0x0  }
0xa6: {  	[sflag:s22] =	ssyncadd.s32 s5;
	_ =	sdelay $0x1  }
0xa7: {  	s23 =	simm.s32 $0x1B8B  }
0xa8: {  	_ =	swait.ge [sflag:s23], $0x1  }
0xa9: {  	[sflag:s23] =	ssyncset.done $0x0  }
0xaa: {  	s25 =	simm.s32 $0x1B8E;
	s24 =	sld [smem:$0x3FFE];
	[sflag:s23] =	ssyncadd.s32 $0xFFFFFFFF  }
0xab: {  	s26 =	simm.s32 $execute0_lowered;
	[smem:$0x3FD2] =	sst s25  }
0xac: {  	s6 =	sshll.u32 s26, $0x1;
	_ =	strace $0x80000046;
	[dreg:$0x1] =	wrdreg $0xFFFFFFFF  }
0xad: {  	s28 =	simm.s32 $_size_execute0_lowered;
	s4 =	sadd.s32 s4, s6;
	[dreg:$0x0] =	wrdreg $0x0  }
0xae: {  	s6 =	sshll.u32 s28, $0x1;
	[dreg:$0x2] =	wrdreg s4  }
0xaf: {  	[dreg:$0x3] =	wrdreg s6  }
0xb0: {  	[dreg:$0x4] =	wrdreg $0xC0  }
0xb1: {  	_ =	task [dreg:s8], $0x5FFFF  }
0xb2: {  	[dreg:$0x1] =	wrdreg $0xFFFFFFFF  }
0xb3: {  	[dreg:$0x0] =	wrdreg $0x60  }
0xb4: {  	[dreg:$0x2] =	wrdreg s24  }
0xb5: {  	[dreg:$0x3] =	wrdreg s16  }
0xb6: {  	[dreg:$0x4] =	wrdreg s17  }
0xb7: {  	[dreg:$0x5] =	wrdreg $0x9  }
0xb8: {  	_ =	task.clear_ibuf [dreg:s8], $0x6FFFF;
	_ =	strace $0x90000046  }
0xb9: {  	s29 =	simm.s32 $0x9;
	_ =	strace $0x80000048  }
0xba: {  	_ =	swait.ge [sflag:s29], $0x1  }
0xbb: {  	[sflag:s29] =	ssyncadd.s32 $0xFFFFFFFF  }
0xbc: {  	_ =	strace $0x90000048  }
0xbd: {  	_ =	sfence  }
0xbe: {  	s30 =	sld [smem:$0x0];
	_ =	sdelay $0x2  }
0xbf: {  	s31 =	sshll.u32 s1, $0xD;
	s1 =	sshrl.u32 s1, $0x2  }
0xc0: {  	s3 =	sand.u32 $0x4000, s31;
	s1 =	sadd.s32 s1, s30  }
0xc1: {  	s0 =	sor.u32 s3, s0;
	s1 =	sshll.u32 s1, $0x11  }
0xc2: {  	s0 =	sor.u32 s1, s0  }
0xc3: {  	s0 =	sadd.s32 $0x8F2B, s0  }
0xc4: {  	[sflag:s0] =	ssyncadd.remote.s32 $0x1  }
0xc5: {  	_ =	sfence.sel $0xFFFF  }
0xc6: {  	[dreg:$0x0] =	wrdreg $0xFFFFFFFF;
	(pc) =	sbr.abs _section_cstart, $3  }
0xc7: {  	[dreg:$0x1] =	wrdreg $0xFFFFFFFF  }
0xc8: {  	_ =	task.clear_ibuf [dreg:s8], $0x2FFFF;
	_ =	strace $0x9FFFFFFF  }
0xc9: {  	(tm) =	ssettm $0x7FFFFFFF  }
tec
execute0_lowered:
.L_overlay_start_1:
0x0: {  	(tag) =	ssettag $0x1  }
0x1: {  	s3 =	rddreg [dreg:$0x0]  }
0x2: {  	s4 =	rddreg [dreg:$0x1]  }
0x3: {  	s5 =	rddreg [dreg:$0x2]  }
0x4: {  	s0 =	rddreg [dreg:$0x3];
	s6 =	srdreg.scid  }
0x5: {  	s2 =	simm.s32 $0x0;
	s1 =	stileid.u32;
	s9 =	simm.s32 $0x2800  }
0x6: {  	s10 =	simm.s32 $0x0;
	s6 =	sand.u32 $0x1, s6;
	[smem:$0x7FF] =	sst s2  }
0x7: {  	s7 =	sshll.u32 s1, $0xB;
	s8 =	sshll.u32 s6, $0xA;
	s6 =	ssub.s32 $0x2, s6  }
0x8: {  	_ =	strace $0x80000047;
	s7 =	sor.u32 s8, s7;
	s31 =	sshrl.u32 s6, $0x1  }
0x9: {  	s8 =	simm.s32 $0x2000;
	s3 =	sadd.s32 s7, s3;
	s7 =	sshrl.u32 s7, $0x2  }
0xa: {  	v0 =	vimm.s32 $0x0;
	s6 =	ssub.s32 s6, s31;
	s3 =	sadd.s32 $0xC00, s3;
	s4 =	sadd.s32 s4, s7  }
0xb: {  	v1 =	vimm.s32 $0x3;
	v2 =	vimm.s32 $0x5;
	v3 =	vimm.s32 $0x7;
	s5 =	sadd.s32 s5, s7;
	s6 =	smax.u32 s6, $0x1;
	s7 =	simm.s32 $0x1  }
.LBB2_1:
0xc: {  	[tilespmem:s2], [sflag:$0x1] =	stream.linear.gather [hbm4b:s3+s2], $0x2000, $0x38;
	[tilespmem:$0x3000] =	vst v63  }
0xd: {  	s11 =	sand.u32 $0x60, s2;
	s12 =	simm.s32 $0x0;
	_ =	swait.ge [sflag:s7], $0x2000  }
0xe: {  	s13 =	sand.u32 $0x3FFFFC00, s12;
	s22 =	sor.u32 $0x10, s11;
	[sflag:s7] =	ssyncset.done $0x0  }
0xf: {  	s14 =	sor.u32 s22, s13;
	[sflag:s7] =	ssyncadd.s32 $0xFFFFE000  }
0x10: {  	v8 =	vld [tilespmem:s14+$0x100]  }
0x11: {  	v10 =	vld [tilespmem:s14+$0x180]  }
0x12: {  	v11 =	vld [tilespmem:s14+$0x200]  }
0x13: {  	v12 =	vld [tilespmem:s14+$0x280]  }
0x14: {  	v13 =	vld [tilespmem:s14+$0x300]  }
0x15: {  	v14 =	vld [tilespmem:s14+$0x0]  }
0x16: {  	v15 =	vld [tilespmem:s14+$0x80]  }
0x17: {  	v16 =	vld [tilespmem:s14+$0x380]  }
0x18: {  	s13 =	sor.u32 s11, s13  }
0x19: {  	v9 =	vld [tilespmem:s13+$0x0]  }
0x1a: {  	v7 =	vld [tilespmem:s13+$0x80]  }
0x1b: {  	vm0 =	vge.f32 v14, v15;
	vm1 =	vge.f32 v8, v10;
	vm2 =	vge.f32 v11, v12  }
0x1c: {  	vm3 =	vge.f32 v13, v16;
	vm0 =	vmneg vm0;
	v5 =	vsel vm1, v8, v10  }
0x1d: {  	v18 =	vsel vm2, v11, v12;
	v19 =	vsel vm3, v13, v16;
	v17 =	vsel vm0, v15, v14  }
0x1e: {  	vm6 =	vge.f32 v18, v19;
	vm5 =	vge.f32 v17, v5  }
0x1f: {  	vm4 =	vge.f32 v9, v7;
	v5 =	vsel vm5, v17, v5;
	v17 =	vsel vm6, v18, v19  }
0x20: {  	vm7 =	vmneg vm4;
	vm4 =	vge.f32 v5, v17  }
0x21: {  	v20 =	vsel vm2, $0x4, v2;
	v21 =	vsel vm3, $0x6, v3;
	v17 =	vsel vm4, v5, v17  }
0x22: {  	v19 =	vsel vm1, $0x2, v1;
	v5 =	vsel vm0, $0x1, v0;
	v22 =	vsub.f32 v14, v17  }
0x23: {  	v5 =	vsel vm5, v5, v19;
	v19 =	vsel vm6, v20, v21;
	v20 =	vsub.f32 v15, v17  }
0x24: {  	v49 =	vsub.f32 v8, v17;
	v50 =	vsub.f32 v10, v17  }
0x25: {  	v23 =	vsub.f32 v11, v17;
	v51 =	vsub.f32 v12, v17  }
0x26: {  	v52 =	vsub.f32 v13, v17;
	v54 =	vsub.f32 v16, v17  }
0x27: {  	v5 =	vsel vm4, v5, v19;
	v19 =	vmul.f32 $1.442695020e+00, v22;
	v20 =	vmul.f32 $1.442695020e+00, v20  }
0x28: {  	vm0 =	veq.s32 v5, $0x2;
	v21 =	vmul.f32 $1.442695020e+00, v49;
	v53 =	vmul.f32 $1.442695020e+00, v51  }
0x29: {  	vm1 =	veq.s32 v5, $0x3;
	vm2 =	veq.s32 v5, $0x4;
	vm3 =	veq.s32 v5, $0x5  }
0x2a: {  	vm4 =	veq.s32 v5, $0x6;
	vm5 =	veq.s32 v5, $0x0;
	vm6 =	veq.s32 v5, $0x7  }
0x2b: {  	vm9 =	veq.s32 v5, $0x1;
	v8 =	vsel vm0, $0xFF800000, v8;
	v10 =	vsel vm1, $0xFF800000, v10  }
0x2c: {  	v11 =	vsel vm2, $0xFF800000, v11;
	v12 =	vsel vm3, $0xFF800000, v12;
	v13 =	vsel vm4, $0xFF800000, v13  }
0x2d: {  	v14 =	vsel vm5, $0xFF800000, v14;
	v15 =	vsel vm9, $0xFF800000, v15;
	(erf) = vpow2.f32 v19  }
0x2e: {  	v16 =	vsel vm6, $0xFF800000, v16;
	v19 =	vmul.f32 $1.442695020e+00, v50;
	(erf) = vpow2.f32 v20  }
0x2f: {  	v4 =	vld [tilespmem:s13+$0x100];
	vm2 =	vge.f32 v14, v15;
	v20 =	vmul.f32 $1.442695020e+00, v23;
	(erf) = vpow2.f32 v21  }
0x30: {  	v6 =	vld [tilespmem:s13+$0x180];
	vm1 =	vge.f32 v8, v10;
	vm0 =	vge.f32 v11, v12;
	(erf) = vpow2.f32 v19  }
0x31: {  	v55 =	vld [tilespmem:s13+$0x300];
	vm6 =	vmneg vm2;
	v19 =	vmul.f32 $1.442695020e+00, v52;
	(erf) = vpow2.f32 v20  }
0x32: {  	s23 =	simm.s32 $0x20;
	v57 =	vld [tilespmem:s13+$0x380];
	v8 =	vsel vm1, v8, v10;
	v20 =	vmul.f32 $1.442695020e+00, v54;
	(erf) = vpow2.f32 v53  }
0x33: {  	s25 =	simm.s32 $0x100;
	s24 =	sand.u32 $0x60, s23;
	vm2 =	vge.f32 v13, v16;
	v11 =	vsel vm0, v11, v12;
	(erf) = vpow2.f32 v19;
	v19 =	vld [tilespmem:s13+$0x200]  }
0x34: {  	s15 =	sor.u32 $0x10, s24;
	v14 =	vsel vm6, v15, v14;
	v12 =	vsel vm2, v13, v16;
	(erf) = vpow2.f32 v20;
	v20 =	vld [tilespmem:s13+$0x280];
	s13 =	sand.u32 $0x3FFFFC00, s25  }
0x35: {  	vm5 =	vge.f32 v14, v8;
	vm3 =	vge.f32 v11, v12;
	s16 =	sor.u32 s15, s13  }
0x36: {  	v8 =	vsel vm5, v14, v8;
	v11 =	vsel vm3, v11, v12;
	v62 =	vld [tilespmem:s16+$0x300]  }
0x37: {  	vm4 =	vge.f32 v8, v11;
	v56 =	vpop (erf);
	v63 =	vld [tilespmem:s16+$0x0]  }
0x38: {  	v8 =	vsel vm4, v8, v11;
	v34 =	vld [tilespmem:s16+$0x80];
	v24 =	vpop (erf)  }
0x39: {  	v8 =	vsub.f32 v8, v17;
	v27 =	vld [tilespmem:s16+$0x380];
	v25 =	vpop (erf)  }
0x3a: {  	vm8 =	vge.f32 v4, v6;
	vm10 =	vge.f32 v55, v57;
	v18 =	vsel vm7, v7, v9;
	v10 =	vpop (erf)  }
0x3b: {  	v26 =	vsel vm0, $0x4, v2;
	v28 =	vsel vm2, $0x6, v3;
	v8 =	vmul.f32 $1.442695020e+00, v8;
	v13 =	vpop (erf)  }
0x3c: {  	v61 =	vsel vm6, $0x1, v0;
	v35 =	vsel vm3, v26, v28;
	v14 =	vadd.f32 v24, v56;
	v15 =	vpop (erf)  }
0x3d: {  	(erf) = vpow2.f32 v8;
	v8 =	vsel vm8, $0x2, v1;
	vm9 =	vge.f32 v19, v20;
	v12 =	vpop (erf)  }
0x3e: {  	v10 =	vadd.f32 v10, v25;
	vm0 =	vge.f32 v63, v34;
	vm3 =	vge.f32 v62, v27;
	v16 =	vpop (erf)  }
0x3f: {  	v11 =	vadd.f32 v15, v13;
	v13 =	vsel vm8, v4, v6;
	v12 =	vadd.f32 v16, v12  }
0x40: {  	v15 =	vsel vm9, v19, v20;
	v10 =	vadd.f32 v10, v14;
	v16 =	vsel vm10, v55, v57  }
0x41: {  	vm11 =	vge.f32 v18, v13;
	vm12 =	vge.f32 v15, v16;
	v11 =	vadd.f32 v12, v11  }
0x42: {  	vm0 =	vmneg vm0;
	v12 =	vsel vm11, v18, v13;
	v13 =	vsel vm12, v15, v16  }
0x43: {  	v10 =	vadd.f32 v11, v10;
	v11 =	vsel vm7, $0x1, v0;
	vm7 =	vge.f32 v12, v13  }
0x44: {  	v37 =	vsel vm3, v62, v27;
	v15 =	vsel vm10, $0x6, v3;
	v12 =	vsel vm7, v12, v13  }
0x45: {  	v8 =	vsel vm11, v11, v8;
	v13 =	vsub.f32 v9, v12;
	v14 =	vsub.f32 v7, v12  }
0x46: {  	(erf) = vrcp.f32 v10;
	v16 =	vsub.f32 v4, v12;
	v17 =	vsub.f32 v6, v12  }
0x47: {  	v10 =	vsel vm9, $0x4, v2;
	v18 =	vsub.f32 v19, v12;
	v58 =	vsub.f32 v20, v12  }
0x48: {  	v59 =	vsub.f32 v55, v12;
	v13 =	vmul.f32 $1.442695020e+00, v13;
	v14 =	vmul.f32 $1.442695020e+00, v14  }
0x49: {  	v60 =	vsub.f32 v57, v12;
	v11 =	vmul.f32 $1.442695020e+00, v16;
	v16 =	vmul.f32 $1.442695020e+00, v17  }
0x4a: {  	v10 =	vsel vm12, v10, v15;
	v15 =	vmul.f32 $1.442695020e+00, v18;
	v17 =	vmul.f32 $1.442695020e+00, v58  }
0x4b: {  	v8 =	vsel vm7, v8, v10;
	v10 =	vmul.f32 $1.442695020e+00, v59;
	(erf) = vpow2.f32 v13  }
0x4c: {  	vm7 =	veq.s32 v8, $0x0;
	vm8 =	veq.s32 v8, $0x1;
	(erf) = vpow2.f32 v14  }
0x4d: {  	vm9 =	veq.s32 v8, $0x4;
	vm10 =	veq.s32 v8, $0x5;
	(erf) = vpow2.f32 v11  }
0x4e: {  	vm11 =	veq.s32 v8, $0x6;
	vm12 =	veq.s32 v8, $0x7;
	(erf) = vpow2.f32 v16  }
0x4f: {  	v13 =	vmul.f32 $1.442695020e+00, v60;
	v7 =	vsel vm8, $0xFF800000, v7;
	vm8 =	veq.s32 v8, $0x3  }
0x50: {  	v14 =	vsel vm7, $0xFF800000, v9;
	vm7 =	veq.s32 v8, $0x2;
	(erf) = vpow2.f32 v15  }
0x51: {  	v6 =	vsel vm8, $0xFF800000, v6;
	vm13 =	vge.f32 v14, v7;
	(erf) = vpow2.f32 v17  }
0x52: {  	v4 =	vsel vm7, $0xFF800000, v4;
	v11 =	vsel vm9, $0xFF800000, v19;
	(erf) = vpow2.f32 v10;
	v10 =	vpop (erf)  }
0x53: {  	v19 =	vld [tilespmem:s16+$0x200];
	v16 =	vsel vm12, $0xFF800000, v57;
	(erf) = vpow2.f32 v13;
	v9 =	vpop (erf);
	v13 =	vsel vm10, $0xFF800000, v20  }
0x54: {  	v15 =	vsel vm11, $0xFF800000, v55;
	vm11 =	vge.f32 v4, v6;
	vm10 =	vmneg vm13;
	v20 =	vld [tilespmem:s16+$0x280];
	v17 =	vpop (erf)  }
0x55: {  	vm9 =	vge.f32 v15, v16;
	vm12 =	vge.f32 v11, v13;
	v7 =	vsel vm10, v7, v14;
	v14 =	vpop (erf)  }
0x56: {  	v4 =	vsel vm11, v4, v6;
	v6 =	vsel vm12, v11, v13;
	v11 =	vsel vm9, v15, v16;
	v13 =	vpop (erf)  }
0x57: {  	v33 =	vsel vm9, $0x6, v3;
	vm8 =	vge.f32 v7, v4;
	vm7 =	vge.f32 v6, v11;
	v15 =	vpop (erf)  }
0x58: {  	v4 =	vsel vm8, v7, v4;
	v14 =	vadd.f32 v14, v17;
	v7 =	vadd.f32 v15, v13  }
0x59: {  	v18 =	vld [tilespmem:s16+$0x100];
	v6 =	vsel vm7, v6, v11;
	vm2 =	vge.f32 v19, v20;
	v13 =	vsel vm10, $0x1, v0  }
0x5a: {  	s13 =	sor.u32 s24, s13;
	v17 =	vld [tilespmem:s16+$0x180];
	v11 =	vpop (erf);
	v15 =	vsel vm11, $0x2, v1;
	vm10 =	vge.f32 v4, v6;
	v36 =	vsel vm2, v19, v20  }
0x5b: {  	v53 =	vld [tilespmem:s13+$0x300];
	v40 =	vsel vm2, $0x4, v2;
	v16 =	vpop (erf);
	v4 =	vsel vm10, v4, v6;
	v13 =	vsel vm8, v13, v15  }
0x5c: {  	v31 =	vld [tilespmem:s13+$0x380];
	v6 =	vadd.f32 v7, v14;
	v11 =	vadd.f32 v16, v11;
	v16 =	vsel vm1, $0x2, v1;
	v7 =	vpop (erf)  }
0x5d: {  	v14 =	vsel vm12, $0x4, v2;
	v4 =	vsub.f32 v4, v12;
	v15 =	vsel vm5, v61, v16;
	v16 =	vld [tilespmem:s13+$0x80];
	v12 =	vpop (erf)  }
0x5e: {  	vm6 =	vge.f32 v36, v37;
	v14 =	vsel vm7, v14, v33;
	v7 =	vadd.f32 v12, v7;
	v12 =	vld [tilespmem:s13+$0x0]  }
0x5f: {  	vm1 =	vge.f32 v18, v17;
	v4 =	vmul.f32 $1.442695020e+00, v4;
	v14 =	vsel vm10, v13, v14  }
0x60: {  	v13 =	vsel vm4, v15, v35;
	v15 =	vsel vm0, v34, v63;
	v39 =	vsel vm1, $0x2, v1  }
0x61: {  	vm10 =	vge.f32 v53, v31;
	(erf) = vpow2.f32 v4;
	v4 =	vsel vm1, v18, v17  }
0x62: {  	v61 =	vsel vm10, v53, v31;
	vm5 =	vge.f32 v15, v4;
	v11 =	vadd.f32 v7, v11  }
0x63: {  	v4 =	vsel vm5, v15, v4;
	v15 =	vsel vm6, v36, v37;
	vm4 =	vge.f32 v12, v16  }
0x64: {  	v6 =	vadd.f32 v11, v6;
	vm7 =	vmneg vm4;
	vm4 =	vge.f32 v4, v15  }
0x65: {  	v41 =	vsel vm4, v4, v15;
	v4 =	vsel vm0, $0x1, v0;
	v15 =	vsel vm3, $0x6, v3  }
0x66: {  	v29 =	vsub.f32 v63, v41;
	v4 =	vsel vm5, v4, v39;
	v42 =	vsub.f32 v34, v41  }
0x67: {  	v15 =	vsel vm6, v40, v15;
	v43 =	vsub.f32 v18, v41;
	v44 =	vsub.f32 v17, v41  }
0x68: {  	v30 =	vsub.f32 v19, v41;
	v15 =	vsel vm4, v4, v15;
	v4 =	vmul.f32 $1.442695020e+00, v29  }
0x69: {  	v45 =	vsub.f32 v20, v41;
	v24 =	vmul.f32 $1.442695020e+00, v42;
	v26 =	vmul.f32 $1.442695020e+00, v43  }
0x6a: {  	v47 =	vsub.f32 v62, v41;
	v46 =	vmul.f32 $1.442695020e+00, v30;
	(erf) = vpow2.f32 v4  }
0x6b: {  	v49 =	vsub.f32 v27, v41;
	v4 =	vmul.f32 $1.442695020e+00, v44;
	(erf) = vpow2.f32 v24  }
0x6c: {  	vm0 =	veq.s32 v15, $0x2;
	v48 =	vmul.f32 $1.442695020e+00, v45;
	(erf) = vpow2.f32 v26  }
0x6d: {  	vm1 =	veq.s32 v15, $0x3;
	v50 =	vmul.f32 $1.442695020e+00, v49;
	(erf) = vpow2.f32 v4  }
0x6e: {  	vm2 =	veq.s32 v15, $0x4;
	v4 =	vmul.f32 $1.442695020e+00, v47;
	(erf) = vpow2.f32 v46  }
0x6f: {  	vm3 =	veq.s32 v15, $0x5;
	vm4 =	veq.s32 v15, $0x6;
	(erf) = vpow2.f32 v48  }
0x70: {  	vm5 =	veq.s32 v15, $0x0;
	vm6 =	veq.s32 v15, $0x7;
	(erf) = vpow2.f32 v4  }
0x71: {  	v7 =	vld [tilespmem:s13+$0x100];
	vm9 =	veq.s32 v15, $0x1;
	v18 =	vsel vm0, $0xFF800000, v18;
	(erf) = vpow2.f32 v50  }
0x72: {  	v11 =	vld [tilespmem:s13+$0x180];
	v17 =	vsel vm1, $0xFF800000, v17;
	v19 =	vsel vm2, $0xFF800000, v19;
	v20 =	vsel vm3, $0xFF800000, v20;
	v4 =	vpop (erf)  }
0x73: {  	v51 =	vld [tilespmem:s13+$0x200];
	v22 =	vsel vm4, $0xFF800000, v62;
	v23 =	vsel vm5, $0xFF800000, v63;
	v25 =	vsel vm9, $0xFF800000, v34;
	v54 =	vpop (erf)  }
0x74: {  	v52 =	vld [tilespmem:s13+$0x280];
	v27 =	vsel vm6, $0xFF800000, v27;
	vm0 =	vge.f32 v23, v25;
	vm2 =	vge.f32 v18, v17;
	v32 =	vpop (erf)  }
0x75: {  	vm3 =	vge.f32 v19, v20;
	vm4 =	vge.f32 v22, v27;
	vm6 =	vmneg vm0;
	v33 =	vpop (erf)  }
0x76: {  	v17 =	vsel vm2, v18, v17;
	v19 =	vsel vm3, v19, v20;
	v20 =	vsel vm4, v22, v27;
	v18 =	vpop (erf)  }
0x77: {  	v38 =	vsel vm7, v16, v12;
	vm8 =	vge.f32 v7, v11;
	v23 =	vsel vm6, v25, v23;
	v55 =	vpop (erf)  }
0x78: {  	v59 =	vsel vm8, v7, v11;
	vm0 =	vge.f32 v19, v20;
	vm1 =	vge.f32 v23, v17;
	v56 =	vpop (erf)  }
0x79: {  	vm9 =	vge.f32 v51, v52;
	v19 =	vsel vm0, v19, v20;
	v17 =	vsel vm1, v23, v17;
	v20 =	vpop (erf)  }
0x7a: {  	vm5 =	vge.f32 v17, v19;
	v57 =	vadd.f32 v32, v54;
	v18 =	vadd.f32 v18, v33;
	v58 =	vpop (erf)  }
0x7b: {  	v17 =	vsel vm5, v17, v19;
	v19 =	vadd.f32 v56, v55;
	v20 =	vadd.f32 v58, v20  }
0x7c: {  	vm11 =	vge.f32 v38, v59;
	v60 =	vsel vm9, v51, v52;
	v17 =	vsub.f32 v17, v41  }
0x7d: {  	vm12 =	vge.f32 v60, v61;
	v18 =	vadd.f32 v18, v57;
	v19 =	vadd.f32 v20, v19  }
0x7e: {  	v62 =	vsel vm12, v60, v61;
	v17 =	vmul.f32 $1.442695020e+00, v17;
	v20 =	vsel vm11, v38, v59  }
0x7f: {  	v18 =	vadd.f32 v19, v18;
	v19 =	vsel vm7, $0x1, v0;
	vm7 =	vge.f32 v20, v62  }
0x80: {  	(erf) = vpow2.f32 v17;
	v17 =	vsel vm8, $0x2, v1;
	v63 =	vsel vm7, v20, v62  }
0x81: {  	v36 =	vsel vm10, $0x6, v3;
	v17 =	vsel vm11, v19, v17;
	v20 =	vsub.f32 v12, v63  }
0x82: {  	(erf) = vrcp.f32 v18;
	v21 =	vsub.f32 v16, v63;
	v37 =	vsub.f32 v7, v63  }
0x83: {  	v18 =	vsel vm9, $0x4, v2;
	v38 =	vsub.f32 v11, v63;
	v40 =	vsub.f32 v52, v63  }
0x84: {  	v41 =	vsub.f32 v53, v63;
	v42 =	vsub.f32 v31, v63;
	v39 =	vmul.f32 $1.442695020e+00, v20  }
0x85: {  	v20 =	vsub.f32 v51, v63;
	v21 =	vmul.f32 $1.442695020e+00, v21;
	v19 =	vmul.f32 $1.442695020e+00, v37  }
0x86: {  	v18 =	vsel vm12, v18, v36;
	v43 =	vmul.f32 $1.442695020e+00, v38;
	v45 =	vmul.f32 $1.442695020e+00, v40  }
0x87: {  	v44 =	vmul.f32 $1.442695020e+00, v20;
	v20 =	vsel vm7, v17, v18;
	v17 =	vmul.f32 $1.442695020e+00, v41  }
0x88: {  	(erf) = vpow2.f32 v39;
	v18 =	vmul.f32 $1.442695020e+00, v42  }
0x89: {  	vm7 =	veq.s32 v20, $0x0;
	(erf) = vpow2.f32 v21;
	vm8 =	veq.s32 v20, $0x1  }
0x8a: {  	vm9 =	veq.s32 v20, $0x4;
	vm10 =	veq.s32 v20, $0x5;
	(erf) = vpow2.f32 v19  }
0x8b: {  	vm11 =	veq.s32 v20, $0x6;
	vm12 =	veq.s32 v20, $0x7;
	(erf) = vpow2.f32 v43  }
0x8c: {  	v12 =	vsel vm7, $0xFF800000, v12;
	v16 =	vsel vm8, $0xFF800000, v16;
	vm7 =	veq.s32 v20, $0x2  }
0x8d: {  	s13 =	simm.s32 $0x40;
	vm8 =	veq.s32 v20, $0x3;
	v19 =	vsel vm11, $0xFF800000, v53;
	(erf) = vpow2.f32 v44  }
0x8e: {  	s17 =	simm.s32 $0x200;
	s26 =	sand.u32 $0x60, s13;
	v46 =	vsel vm12, $0xFF800000, v31;
	vm13 =	vge.f32 v12, v16;
	(erf) = vpow2.f32 v45  }
0x8f: {  	s18 =	sand.u32 $0x3FFFFC00, s17;
	s28 =	sor.u32 $0x10, s26;
	v22 =	vpop (erf);
	v7 =	vsel vm7, $0xFF800000, v7;
	v11 =	vsel vm8, $0xFF800000, v11;
	(erf) = vpow2.f32 v17  }
0x90: {  	s19 =	sor.u32 s28, s18;
	vm7 =	vmneg vm13;
	v21 =	vpop (erf);
	(erf) = vpow2.f32 v18;
	v18 =	vsel vm10, $0xFF800000, v52  }
0x91: {  	v49 =	vld [tilespmem:s19+$0x180];
	vm11 =	vge.f32 v7, v11;
	v12 =	vsel vm7, v16, v12;
	v17 =	vsel vm9, $0xFF800000, v51;
	v47 =	vpop (erf)  }
0x92: {  	v48 =	vld [tilespmem:s19+$0x100];
	v7 =	vsel vm11, v7, v11;
	vm10 =	vge.f32 v19, v46;
	vm9 =	vge.f32 v17, v18;
	v16 =	vpop (erf)  }
0x93: {  	v57 =	vld [tilespmem:s19+$0x380];
	vm12 =	vge.f32 v12, v7;
	v11 =	vsel vm9, v17, v18;
	v17 =	vsel vm10, v19, v46;
	v18 =	vpop (erf)  }
0x94: {  	v53 =	vld [tilespmem:s19+$0x0];
	v7 =	vsel vm12, v12, v7;
	vm8 =	vge.f32 v11, v17;
	v50 =	vpop (erf)  }
0x95: {  	v51 =	vld [tilespmem:s19+$0x280];
	v16 =	vadd.f32 v16, v47;
	v11 =	vsel vm8, v11, v17;
	v12 =	vadd.f32 v50, v18  }
0x96: {  	(erf) = vrcp.f32 v6;
	v6 =	vsel vm7, $0x1, v0;
	vm7 =	vge.f32 v7, v11;
	v18 =	vld [tilespmem:s19+$0x300]  }
0x97: {  	v10 =	vmul.f32 v10, v9;
	v7 =	vsel vm7, v7, v11;
	v11 =	vadd.f32 v12, v16;
	v16 =	vld [tilespmem:s19+$0x80]  }
0x98: {  	v34 =	vsel vm4, $0x6, v3;
	v60 =	vsel vm2, $0x2, v1;
	v61 =	vsel vm3, $0x4, v2;
	v19 =	vld [tilespmem:s19+$0x200];
	v17 =	vpop (erf)  }
0x99: {  	vm3 =	vge.f32 v48, v49;
	v55 =	vsel vm6, $0x1, v0;
	v54 =	vsel vm11, $0x2, v1;
	v52 =	vpop (erf)  }
0x9a: {  	v30 =	vsel vm1, v55, v60;
	v58 =	vsel vm9, $0x4, v2;
	v29 =	vsel vm12, v6, v54;
	v12 =	vpop (erf)  }
0x9b: {  	v6 =	vsel vm3, v48, v49;
	v7 =	vsub.f32 v7, v63;
	v17 =	vadd.f32 v52, v17;
	v56 =	vpop (erf)  }
0x9c: {  	vm6 =	vge.f32 v18, v57;
	v12 =	vadd.f32 v56, v12;
	vm2 =	vge.f32 v53, v16  }
0x9d: {  	vm4 =	vge.f32 v19, v51;
	v36 =	vsel vm6, v18, v57;
	vm2 =	vmneg vm2  }
0x9e: {  	v35 =	vadd.f32 v12, v17;
	v17 =	vsel vm4, v19, v51;
	v12 =	vsel vm2, v16, v53  }
0x9f: {  	v7 =	vmul.f32 $1.442695020e+00, v7;
	vm9 =	vge.f32 v17, v36;
	vm1 =	vge.f32 v12, v6  }
0xa0: {  	v62 =	vsel vm0, v61, v34;
	v6 =	vsel vm1, v12, v6;
	v12 =	vsel vm9, v17, v36  }
0xa1: {  	v30 =	vsel vm5, v30, v62;
	(erf) = vpow2.f32 v7;
	vm0 =	vge.f32 v6, v12  }
0xa2: {  	v7 =	vsel vm3, $0x2, v1;
	v17 =	vsel vm4, $0x4, v2;
	v63 =	vsel vm0, v6, v12  }
0xa3: {  	v6 =	vsel vm2, $0x1, v0;
	v12 =	vsel vm6, $0x6, v3;
	v36 =	vsub.f32 v53, v63  }
0xa4: {  	v6 =	vsel vm1, v6, v7;
	v7 =	vsel vm9, v17, v12;
	v17 =	vsub.f32 v16, v63  }
0xa5: {  	v59 =	vsel vm10, $0x6, v3;
	v37 =	vsub.f32 v49, v63;
	v38 =	vsub.f32 v19, v63  }
0xa6: {  	v31 =	vsel vm8, v58, v59;
	v39 =	vsub.f32 v51, v63;
	v40 =	vsub.f32 v18, v63  }
0xa7: {  	v41 =	vsub.f32 v57, v63;
	v12 =	vsel vm0, v6, v7;
	v7 =	vsub.f32 v48, v63  }
0xa8: {  	v6 =	vmul.f32 $1.442695020e+00, v36;
	v17 =	vmul.f32 $1.442695020e+00, v17;
	vm1 =	veq.s32 v12, $0x3  }
0xa9: {  	vm2 =	veq.s32 v12, $0x4;
	vm3 =	veq.s32 v12, $0x5;
	vm4 =	veq.s32 v12, $0x6  }
0xaa: {  	vm6 =	veq.s32 v12, $0x0;
	vm8 =	veq.s32 v12, $0x7;
	vm9 =	veq.s32 v12, $0x1  }
0xab: {  	v7 =	vmul.f32 $1.442695020e+00, v7;
	v42 =	vsel vm1, $0xFF800000, v49;
	v19 =	vsel vm2, $0xFF800000, v19  }
0xac: {  	v25 =	vsel vm3, $0xFF800000, v51;
	(erf) = vpow2.f32 v6;
	v6 =	vmul.f32 $1.442695020e+00, v37  }
0xad: {  	v18 =	vsel vm4, $0xFF800000, v18;
	(erf) = vpow2.f32 v17;
	v17 =	vmul.f32 $1.442695020e+00, v38  }
0xae: {  	s18 =	sor.u32 s26, s18;
	v28 =	vsel vm6, $0xFF800000, v53;
	(erf) = vpow2.f32 v7;
	v7 =	vmul.f32 $1.442695020e+00, v39  }
0xaf: {  	v43 =	vld [tilespmem:s18+$0x0];
	v16 =	vsel vm9, $0xFF800000, v16;
	(erf) = vpow2.f32 v6;
	v6 =	vmul.f32 $1.442695020e+00, v40  }
0xb0: {  	v44 =	vld [tilespmem:s18+$0x80];
	v24 =	vsel vm8, $0xFF800000, v57;
	vm2 =	vge.f32 v28, v16;
	(erf) = vpow2.f32 v17  }
0xb1: {  	v46 =	vld [tilespmem:s18+$0x100];
	vm1 =	vge.f32 v19, v25;
	v17 =	vmul.f32 $1.442695020e+00, v41;
	(erf) = vpow2.f32 v7  }
0xb2: {  	v38 =	vld [tilespmem:s18+$0x180];
	vm6 =	vmneg vm2;
	vm2 =	vge.f32 v18, v24;
	(erf) = vpow2.f32 v6  }
0xb3: {  	v19 =	vsel vm1, v19, v25;
	v24 =	vsel vm2, v18, v24;
	(erf) = vpow2.f32 v17;
	v6 =	vpop (erf)  }
0xb4: {  	v22 =	vmul.f32 v22, v21;
	vm0 =	veq.s32 v12, $0x2;
	v18 =	vld [tilespmem:s18+$0x300];
	vm3 =	vge.f32 v19, v24;
	v7 =	vpop (erf)  }
0xb5: {  	v29 =	vsel vm7, v29, v31;
	v24 =	vsel vm3, v19, v24;
	v19 =	vld [tilespmem:s18+$0x380];
	v17 =	vsel vm0, $0xFF800000, v48;
	v45 =	vpop (erf)  }
0xb6: {  	vm7 =	vge.f32 v43, v44;
	v28 =	vsel vm6, v16, v28;
	v16 =	vld [tilespmem:s18+$0x200];
	vm0 =	vge.f32 v17, v42;
	v37 =	vpop (erf)  }
0xb7: {  	vm8 =	vmneg vm7;
	vm10 =	vge.f32 v46, v38;
	v26 =	vsel vm0, v17, v42;
	v17 =	vld [tilespmem:s18+$0x280];
	v39 =	vpop (erf)  }
0xb8: {  	v11 =	vadd.f32 v35, v11;
	v53 =	vsel vm8, v44, v43;
	v54 =	vsel vm10, v46, v38;
	v47 =	vpop (erf)  }
0xb9: {  	v57 =	vsel vm10, $0x2, v1;
	vm9 =	vge.f32 v53, v54;
	vm4 =	vge.f32 v28, v26;
	v48 =	vpop (erf)  }
0xba: {  	vm12 =	vge.f32 v18, v19;
	v31 =	vsel vm9, v53, v54;
	v26 =	vsel vm4, v28, v26;
	v49 =	vpop (erf)  }
0xbb: {  	s29 =	simm.s32 $0x0;
	v56 =	vsel vm12, v18, v19;
	v50 =	vadd.f32 v37, v45;
	vm5 =	vge.f32 v26, v24;
	v51 =	vpop (erf)  }
0xbc: {  	s18 =	sand.u32 $0xFFFFFF00, s29;
	v25 =	vadd.f32 v47, v39;
	v24 =	vsel vm5, v26, v24;
	vm11 =	vge.f32 v16, v17;
	v52 =	vpop (erf)  }
0xbd: {  	s12 =	sor.u32 s18, s22;
	v28 =	vadd.f32 v49, v48;
	v55 =	vsel vm11, v16, v17;
	v26 =	vadd.f32 v52, v51  }
0xbe: {  	[tilespmem:s12+$0x2080] =	vst v10;
	v10 =	vsel vm8, $0x1, v0;
	v24 =	vsub.f32 v24, v63;
	vm7 =	vge.f32 v55, v56  }
0xbf: {  	v25 =	vadd.f32 v25, v50;
	v26 =	vadd.f32 v26, v28;
	v28 =	vsel vm7, v55, v56  }
0xc0: {  	[tilespmem:s12+$0x2800] =	vst v5;
	v5 =	vsel vm12, $0x6, v3;
	v24 =	vmul.f32 $1.442695020e+00, v24;
	vm8 =	vge.f32 v31, v28  }
0xc1: {  	s11 =	sor.u32 s11, s18;
	[tilespmem:s12+$0x2000] =	vst v9;
	v10 =	vsel vm9, v10, v57;
	v25 =	vadd.f32 v26, v25;
	v9 =	vsel vm8, v31, v28  }
0xc2: {  	s30 =	simm.s32 $0x40;
	[tilespmem:s11+$0x2800] =	vst v8;
	v8 =	vsel vm11, $0x4, v2;
	(erf) = vpow2.f32 v24;
	v58 =	vsub.f32 v43, v9  }
0xc3: {  	s18 =	sand.u32 $0xFFFFFF00, s30;
	[tilespmem:s11+$0x2880] =	vst v14;
	v59 =	vsub.f32 v44, v9;
	v28 =	vsub.f32 v46, v9;
	(erf) = vrcp.f32 v25  }
0xc4: {  	[tilespmem:s12+$0x2880] =	vst v13;
	s12 =	sor.u32 s24, s18;
	v5 =	vsel vm7, v8, v5;
	v31 =	vsub.f32 v38, v9;
	v14 =	vsub.f32 v16, v9  }
0xc5: {  	[tilespmem:s12+$0x2800] =	vst v20;
	v20 =	vsel vm8, v10, v5;
	v13 =	vsub.f32 v17, v9;
	v61 =	vsub.f32 v18, v9  }
0xc6: {  	v62 =	vsub.f32 v19, v9;
	vm7 =	veq.s32 v20, $0x0;
	vm8 =	veq.s32 v20, $0x1  }
0xc7: {  	s15 =	sor.u32 s18, s15;
	[tilespmem:s11+$0x2000] =	vst v6;
	vm12 =	veq.s32 v20, $0x2;
	v25 =	vmul.f32 $1.442695020e+00, v58;
	v60 =	vmul.f32 $1.442695020e+00, v59  }
0xc8: {  	[tilespmem:s15+$0x2080] =	vst v22;
	vm13 =	veq.s32 v20, $0x3;
	v28 =	vmul.f32 $1.442695020e+00, v28;
	v31 =	vmul.f32 $1.442695020e+00, v31  }
0xc9: {  	[tilespmem:s15+$0x2000] =	vst v21;
	vm11 =	veq.s32 v20, $0x5;
	v8 =	vmul.f32 $1.442695020e+00, v14;
	(erf) = vpow2.f32 v25  }
0xca: {  	s31 =	simm.s32 $0x80;
	[tilespmem:s15+$0x2800] =	vst v15;
	vm9 =	veq.s32 v20, $0x7;
	v63 =	vmul.f32 $1.442695020e+00, v13;
	(erf) = vpow2.f32 v60  }
0xcb: {  	s14 =	sand.u32 $0xFFFFFF00, s31;
	[tilespmem:s12+$0x2880] =	vst v29;
	v10 =	vsel vm7, $0xFF800000, v43;
	v26 =	vmul.f32 $1.442695020e+00, v61;
	v5 =	vpop (erf);
	(erf) = vpow2.f32 v28  }
0xcc: {  	s18 =	sor.u32 s26, s14;
	[tilespmem:s15+$0x2880] =	vst v30;
	vm7 =	veq.s32 v20, $0x6;
	v14 =	vmul.f32 $1.442695020e+00, v62;
	(erf) = vpow2.f32 v31;
	v15 =	vpop (erf)  }
0xcd: {  	s17 =	sor.u32 s14, s28;
	[tilespmem:s18+$0x2800] =	vst v20;
	v13 =	vsel vm8, $0xFF800000, v44;
	(erf) = vpow2.f32 v8;
	v5 =	vmul.f32 v5, v15  }
0xce: {  	vm8 =	veq.s32 v20, $0x4;
	vm10 =	vge.f32 v10, v13;
	(erf) = vpow2.f32 v63;
	[tilespmem:s17+$0x2000] =	vst v15  }
0xcf: {  	s14 =	simm.s32 $0x4;
	v8 =	vsel vm13, $0xFF800000, v38;
	(erf) = vpow2.f32 v26;
	[tilespmem:s17+$0x2080] =	vst v5;
	v5 =	vsel vm12, $0xFF800000, v46  }
.LBB2_2:
0xd0: {  	s14 =	sadd.s32 $0x2, s14;
	v15 =	vsel vm8, $0xFF800000, v16;
	v16 =	vsel vm11, $0xFF800000, v17;
	[tilespmem:s17+$0x2800] =	vst v12;
	s13 =	sadd.s32 $0x20, s13;
	(erf) = vpow2.f32 v14  }
0xd1: {  	v12 =	vsel vm7, $0xFF800000, v18;
	v17 =	vsel vm9, $0xFF800000, v19;
	vm11 =	vmneg vm10;
	s15 =	sand.u32 $0x60, s13;
	s16 =	sshll.u32 s14, $0x7;
	p0 =	slt.u32 s14, $0x3E  }
0xd2: {  	vm12 =	vge.f32 v5, v8;
	vm9 =	vge.f32 v15, v16;
	vm10 =	vge.f32 v12, v17;
	s20 =	sand.u32 $0x3FFFFC00, s16;
	s16 =	sor.u32 $0x10, s15;
	v18 =	vpop (erf)  }
0xd3: {  	v19 =	vsel vm11, v13, v10;
	v5 =	vsel vm12, v5, v8;
	v8 =	vsel vm9, v15, v16;
	s19 =	sor.u32 s15, s20;
	s20 =	sor.u32 s16, s20;
	v13 =	vpop (erf)  }
0xd4: {  	v17 =	vsel vm10, v12, v17;
	vm7 =	vge.f32 v19, v5;
	v14 =	vld [tilespmem:s20+$0x100];
	v13 =	vadd.f32 v13, v18;
	v16 =	vpop (erf)  }
0xd5: {  	v5 =	vsel vm7, v19, v5;
	vm8 =	vge.f32 v8, v17;
	v15 =	vld [tilespmem:s20+$0x180];
	v10 =	vpop (erf);
	(erf) = vrcp.f32 v11  }
0xd6: {  	v8 =	vsel vm8, v8, v17;
	v11 =	vsel vm11, $0x1, v0;
	v20 =	vld [tilespmem:s20+$0x200];
	v19 =	vadd.f32 v10, v16;
	v12 =	vpop (erf)  }
0xd7: {  	v17 =	vsel vm6, $0x1, v0;
	vm11 =	vge.f32 v5, v8;
	v16 =	vsel vm12, $0x2, v1;
	v21 =	vld [tilespmem:s20+$0x280];
	v18 =	vpop (erf)  }
0xd8: {  	v5 =	vsel vm11, v5, v8;
	v22 =	vld [tilespmem:s20+$0x300];
	v8 =	vadd.f32 v19, v13;
	v12 =	vadd.f32 v18, v12;
	v10 =	vpop (erf)  }
0xd9: {  	v5 =	vsub.f32 v5, v9;
	v18 =	vsel vm9, $0x4, v2;
	v19 =	vsel vm10, $0x6, v3;
	v23 =	vld [tilespmem:s20+$0x0];
	v9 =	vpop (erf)  }
0xda: {  	v25 =	vsel vm1, $0x4, v2;
	v13 =	vsel vm0, $0x2, v1;
	v24 =	vld [tilespmem:s20+$0x80];
	v9 =	vadd.f32 v9, v10  }
0xdb: {  	v27 =	vsel vm2, $0x6, v3;
	v28 =	vmul.f32 v4, v6;
	v4 =	vmovc v7;
	v5 =	vmul.f32 $1.442695020e+00, v5;
	v26 =	vld [tilespmem:s20+$0x380]  }
0xdc: {  	v7 =	vsel vm7, v11, v16;
	v10 =	vld [tilespmem:s19+$0x0];
	v9 =	vadd.f32 v9, v12;
	v12 =	vsel vm4, v17, v13  }
0xdd: {  	v16 =	vsel vm3, v25, v27;
	v11 =	vsel vm8, v18, v19;
	v13 =	vld [tilespmem:s19+$0x80];
	(erf) = vpow2.f32 v5;
	[tilespmem:s11+$0x2080] =	vst v28;
	s11 =	smov.u32 s12;
	s12 =	smov.u32 s18  }
0xde: {  	v7 =	vsel vm11, v7, v11;
	v5 =	vld [tilespmem:s19+$0x100];
	v11 =	vadd.f32 v9, v8;
	v9 =	vsel vm5, v12, v16;
	v6 =	vpop (erf)  }
0xdf: {  	vm1 =	vge.f32 v14, v15;
	vm2 =	vge.f32 v20, v21;
	v8 =	vld [tilespmem:s19+$0x180];
	vm0 =	vge.f32 v23, v24;
	[tilespmem:s11+$0x2000] =	vst v6  }
0xe0: {  	v12 =	vsel vm1, v14, v15;
	v16 =	vld [tilespmem:s19+$0x200];
	vm0 =	vmneg vm0;
	vm3 =	vge.f32 v22, v26;
	[tilespmem:s12+$0x2880] =	vst v7  }
0xe1: {  	v25 =	vsel vm2, v20, v21;
	v17 =	vld [tilespmem:s19+$0x280];
	v7 =	vsel vm0, v24, v23;
	v27 =	vsel vm3, v22, v26;
	[tilespmem:s17+$0x2880] =	vst v9  }
0xe2: {  	v18 =	vld [tilespmem:s19+$0x300];
	vm4 =	vge.f32 v10, v13;
	vm5 =	vge.f32 v7, v12;
	vm6 =	vge.f32 v25, v27  }
0xe3: {  	v19 =	vld [tilespmem:s19+$0x380];
	vm7 =	vmneg vm4;
	v7 =	vsel vm5, v7, v12;
	v9 =	vsel vm6, v25, v27  }
0xe4: {  	v25 =	vsel vm7, v13, v10;
	vm8 =	vge.f32 v5, v8;
	vm4 =	vge.f32 v7, v9  }
0xe5: {  	v12 =	vsel vm1, $0x2, v1;
	v27 =	vsel vm2, $0x4, v2;
	v9 =	vsel vm4, v7, v9  }
0xe6: {  	v28 =	vsel vm0, $0x1, v0;
	v29 =	vsel vm3, $0x6, v3;
	v30 =	vsub.f32 v23, v9;
	v7 =	vpop (erf)  }
0xe7: {  	v12 =	vsel vm5, v28, v12;
	v27 =	vsel vm6, v27, v29;
	v28 =	vsub.f32 v24, v9  }
0xe8: {  	v12 =	vsel vm4, v12, v27;
	v29 =	vsub.f32 v14, v9;
	v27 =	vmul.f32 $1.442695020e+00, v30  }
0xe9: {  	vm0 =	veq.s32 v12, $0x2;
	v28 =	vmul.f32 $1.442695020e+00, v28;
	v30 =	vsub.f32 v15, v9  }
0xea: {  	v31 =	vsub.f32 v20, v9;
	v29 =	vmul.f32 $1.442695020e+00, v29;
	(erf) = vpow2.f32 v27  }
0xeb: {  	v27 =	vmul.f32 $1.442695020e+00, v30;
	v30 =	vsub.f32 v21, v9;
	(erf) = vpow2.f32 v28  }
0xec: {  	v28 =	vmul.f32 $1.442695020e+00, v31;
	v31 =	vsub.f32 v22, v9;
	(erf) = vpow2.f32 v29  }
0xed: {  	v29 =	vmul.f32 $1.442695020e+00, v30;
	v30 =	vsub.f32 v26, v9;
	(erf) = vpow2.f32 v27  }
0xee: {  	vm1 =	veq.s32 v12, $0x3;
	v27 =	vmul.f32 $1.442695020e+00, v31;
	(erf) = vpow2.f32 v28  }
0xef: {  	vm2 =	veq.s32 v12, $0x4;
	v28 =	vmul.f32 $1.442695020e+00, v30;
	(erf) = vpow2.f32 v29  }
0xf0: {  	vm3 =	veq.s32 v12, $0x5;
	vm4 =	veq.s32 v12, $0x6;
	(erf) = vpow2.f32 v27  }
0xf1: {  	vm5 =	veq.s32 v12, $0x0;
	vm6 =	veq.s32 v12, $0x7;
	(erf) = vpow2.f32 v28  }
0xf2: {  	vm9 =	veq.s32 v12, $0x1;
	v14 =	vsel vm0, $0xFF800000, v14;
	v15 =	vsel vm1, $0xFF800000, v15  }
0xf3: {  	v20 =	vsel vm2, $0xFF800000, v20;
	v21 =	vsel vm3, $0xFF800000, v21;
	v22 =	vsel vm4, $0xFF800000, v22;
	v27 =	vpop (erf)  }
0xf4: {  	v23 =	vsel vm5, $0xFF800000, v23;
	v24 =	vsel vm9, $0xFF800000, v24;
	v26 =	vsel vm6, $0xFF800000, v26;
	v28 =	vpop (erf)  }
0xf5: {  	vm2 =	vge.f32 v23, v24;
	vm0 =	vge.f32 v14, v15;
	vm1 =	vge.f32 v20, v21;
	v29 =	vpop (erf)  }
0xf6: {  	v14 =	vsel vm0, v14, v15;
	vm6 =	vmneg vm2;
	vm2 =	vge.f32 v22, v26;
	v15 =	vpop (erf)  }
0xf7: {  	v20 =	vsel vm1, v20, v21;
	v23 =	vsel vm6, v24, v23;
	v26 =	vsel vm2, v22, v26;
	v22 =	vpop (erf)  }
0xf8: {  	vm9 =	vge.f32 v16, v17;
	vm4 =	vge.f32 v23, v14;
	vm3 =	vge.f32 v20, v26;
	v24 =	vpop (erf)  }
0xf9: {  	vm10 =	vge.f32 v18, v19;
	v14 =	vsel vm4, v23, v14;
	v20 =	vsel vm3, v20, v26;
	v21 =	vpop (erf)  }
0xfa: {  	vm5 =	vge.f32 v14, v20;
	v23 =	vadd.f32 v28, v27;
	v15 =	vadd.f32 v15, v29;
	v26 =	vpop (erf)  }
0xfb: {  	v14 =	vsel vm5, v14, v20;
	v20 =	vadd.f32 v24, v22;
	v21 =	vadd.f32 v26, v21  }
0xfc: {  	v9 =	vsub.f32 v14, v9;
	v22 =	vsel vm8, v5, v8;
	v24 =	vsel vm9, v16, v17  }
0xfd: {  	v14 =	vsel vm10, v18, v19;
	v15 =	vadd.f32 v15, v23;
	v20 =	vadd.f32 v21, v20  }
0xfe: {  	v9 =	vmul.f32 $1.442695020e+00, v9;
	vm12 =	vge.f32 v25, v22;
	vm11 =	vge.f32 v24, v14  }
0xff: {  	v14 =	vsel vm11, v24, v14;
	v21 =	vsel vm12, v25, v22;
	v15 =	vadd.f32 v20, v15  }
0x100: {  	v20 =	vsel vm7, $0x1, v0;
	vm7 =	vge.f32 v21, v14;
	(erf) = vpow2.f32 v9  }
0x101: {  	v22 =	vsel vm8, $0x2, v1;
	v9 =	vsel vm7, v21, v14;
	(erf) = vrcp.f32 v15  }
0x102: {  	v14 =	vsel vm9, $0x4, v2;
	v15 =	vsub.f32 v10, v9;
	v21 =	vsub.f32 v13, v9  }
0x103: {  	v23 =	vsel vm10, $0x6, v3;
	v24 =	vsub.f32 v5, v9;
	v25 =	vsub.f32 v8, v9  }
0x104: {  	v26 =	vsub.f32 v16, v9;
	v27 =	vsub.f32 v17, v9;
	v15 =	vmul.f32 $1.442695020e+00, v15  }
0x105: {  	v28 =	vsub.f32 v18, v9;
	v29 =	vsub.f32 v19, v9;
	v21 =	vmul.f32 $1.442695020e+00, v21  }
0x106: {  	v20 =	vsel vm12, v20, v22;
	v22 =	vmul.f32 $1.442695020e+00, v24;
	v24 =	vmul.f32 $1.442695020e+00, v25  }
0x107: {  	v14 =	vsel vm11, v14, v23;
	v23 =	vmul.f32 $1.442695020e+00, v26;
	v25 =	vmul.f32 $1.442695020e+00, v27  }
0x108: {  	v20 =	vsel vm7, v20, v14;
	v26 =	vmul.f32 $1.442695020e+00, v28;
	v14 =	vmul.f32 $1.442695020e+00, v29  }
0x109: {  	vm7 =	veq.s32 v20, $0x0;
	vm8 =	veq.s32 v20, $0x1;
	(erf) = vpow2.f32 v15;
	v15 =	vpop (erf)  }
0x10a: {  	s17 =	sshll.u32 s14, $0x5;
	v10 =	vsel vm7, $0xFF800000, v10;
	v13 =	vsel vm8, $0xFF800000, v13;
	(erf) = vpow2.f32 v21;
	v21 =	vpop (erf)  }
.Ltmp0:
0x10b: {  	s17 =	sand.u32 $0xFFFFFF00, s17;
	vm12 =	veq.s32 v20, $0x2;
	v15 =	vmul.f32 v15, v21;
	(erf) = vpow2.f32 v22;
	(pc) =	sbr.rel @p0 .LBB2_2-.Ltmp0, $4  }
0x10c: {  	s18 =	sor.u32 s15, s17;
	s17 =	sor.u32 s17, s16;
	vm13 =	veq.s32 v20, $0x3;
	vm8 =	veq.s32 v20, $0x4;
	(erf) = vpow2.f32 v24  }
0x10d: {  	vm11 =	veq.s32 v20, $0x5;
	vm7 =	veq.s32 v20, $0x6;
	[tilespmem:s17+$0x2080] =	vst v15;
	(erf) = vpow2.f32 v23  }
0x10e: {  	vm9 =	veq.s32 v20, $0x7;
	vm10 =	vge.f32 v10, v13;
	[tilespmem:s17+$0x2000] =	vst v21;
	(erf) = vpow2.f32 v25  }
0x10f: {  	v5 =	vsel vm12, $0xFF800000, v5;
	v8 =	vsel vm13, $0xFF800000, v8;
	[tilespmem:s18+$0x2800] =	vst v20;
	(erf) = vpow2.f32 v26  }
0x110: {  	(erf) = vpow2.f32 v14;
	_ =	sdelay $0x1  }
0x111: {  	v40 =	vpop (erf)  }
0x112: {  	v15 =	vsel vm8, $0xFF800000, v16;
	v41 =	vsel vm11, $0xFF800000, v17;
	v42 =	vsel vm7, $0xFF800000, v18;
	v43 =	vpop (erf)  }
0x113: {  	v19 =	vsel vm9, $0xFF800000, v19;
	vm8 =	vmneg vm10;
	vm9 =	vge.f32 v5, v8;
	v20 =	vpop (erf)  }
0x114: {  	vm10 =	vge.f32 v15, v41;
	vm7 =	vge.f32 v42, v19;
	v10 =	vsel vm8, v13, v10;
	v44 =	vpop (erf)  }
0x115: {  	v5 =	vsel vm9, v5, v8;
	v45 =	vsel vm10, v15, v41;
	v46 =	vsel vm7, v42, v19;
	v47 =	vpop (erf)  }
0x116: {  	vm11 =	vge.f32 v10, v5;
	vm12 =	vge.f32 v45, v46;
	v48 =	vpop (erf)  }
0x117: {  	v5 =	vsel vm11, v10, v5;
	v8 =	vsel vm12, v45, v46;
	v49 =	vpop (erf)  }
0x118: {  	v14 =	vadd.f32 v43, v40;
	vm13 =	vge.f32 v5, v8;
	v13 =	vadd.f32 v44, v20;
	v50 =	vpop (erf)  }
0x119: {  	v5 =	vsel vm13, v5, v8;
	v51 =	vadd.f32 v48, v47;
	v10 =	vadd.f32 v50, v49  }
0x11a: {  	v5 =	vsub.f32 v5, v9  }
0x11b: {  	v52 =	vadd.f32 v13, v14;
	v8 =	vadd.f32 v10, v51  }
0x11c: {  	(erf) = vrcp.f32 v11;
	v5 =	vmul.f32 $1.442695020e+00, v5  }
0x11d: {  	v8 =	vadd.f32 v8, v52  }
0x11e: {  	(erf) = vpow2.f32 v5  }
0x11f: {  	(erf) = vrcp.f32 v8;
	_ =	sdelay $0x1  }
0x120: {  	v4 =	vmul.f32 v4, v6;
	v53 =	vsel vm9, $0x2, v1  }
0x121: {  	v55 =	vsel vm10, $0x4, v2;
	v56 =	vsel vm7, $0x6, v3;
	v5 =	vsel vm8, $0x1, v0  }
0x122: {  	v6 =	vsel vm12, v55, v56;
	v5 =	vsel vm11, v5, v53  }
0x123: {  	v54 =	vsel vm6, $0x1, v0;
	[tilespmem:s17+$0x2800] =	vst v12;
	v5 =	vsel vm13, v5, v6  }
0x124: {  	v57 =	vsel vm0, $0x2, v1;
	v58 =	vsel vm1, $0x4, v2;
	v59 =	vsel vm2, $0x6, v3;
	[tilespmem:s11+$0x2080] =	vst v4;
	v4 =	vpop (erf)  }
0x125: {  	v60 =	vsel vm4, v54, v57;
	v61 =	vsel vm3, v58, v59;
	[tilespmem:s12+$0x2000] =	vst v4  }
0x126: {  	v62 =	vsel vm5, v60, v61;
	v4 =	vmul.f32 v7, v4;
	[tilespmem:s18+$0x2880] =	vst v5;
	v5 =	vpop (erf)  }
0x127: {  	[tilespmem:s17+$0x2880] =	vst v62;
	v63 =	vpop (erf)  }
0x128: {  	[tilespmem:s12+$0x2080] =	vst v4;
	v4 =	vmul.f32 v5, v63  }
0x129: {  	[tilespmem:s18+$0x2000] =	vst v63  }
0x12a: {  	[tilespmem:s18+$0x2080] =	vst v4  }
0x12b: {  	[hbm4b:s4+s2] =	stream.linear.scatter [tilespmem:s8], [sflag:$0x1], $0x800, $0x38;
	[tilespmem:$0x3000] =	vst v63  }
0x12c: {  	s10 =	sadd.s32 $0x1, s10;
	_ =	swait.ge [sflag:s7], $0x800  }
0x12d: {  	p0 =	sne.s32 s10, s6;
	[sflag:s7] =	ssyncset.done $0x0  }
.Ltmp1:
0x12e: {  	[sflag:s7] =	ssyncadd.s32 $0xFFFFF800;
	(pc) =	sbr.rel @p0 .LBB2_1-.Ltmp1, $4  }
0x12f: {  	[hbm4b:s5+s2] =	stream.linear.scatter [tilespmem:s9], [sflag:$0x1], $0x800, $0x38;
	[tilespmem:$0x3000] =	vst v63  }
0x130: {  	_ =	swait.ge [sflag:s7], $0x800  }
0x131: {  	[sflag:s7] =	ssyncset.done $0x0  }
0x132: {  	[sflag:s7] =	ssyncadd.s32 $0xFFFFF800  }
0x133: {  	_ =	sfence.sel $0x180000  }
0x134: {  	[bflag:$0x0] =	sbarrier.arrive $0xFFFF  }
0x135: {  	p0 =	sne.s32 s1, $0x0;
	_ =	strace $0x90000047  }
0x136: {  	s0 =	sadd.s32 @!p0 $0x100000, s0;
	[bflag:$0x2] =	sbarrier.arrive $0xFFFF  }
0x137: {  	[sflag:s0] =	ssyncadd.tile.s32 @!p0 $0x1;
	_ =	shalt  }
.Lfunc_end2:
_tile_overlayer_lowered:
.L_overlay_start_2:
0x138: {  	(tag) =	ssettag $0x2  }
0x139: {  	s0 =	rddreg [dreg:$0x0];
	s2 =	stileid.u32  }
0x13a: {  	s1 =	rddreg [dreg:$0x1];
	p0 =	sne.s32 s2, $0x0  }
0x13b: {  	s3 =	rddreg [dreg:$0x2];
	[bflag:$0x3] =	sbarrier.arrive $0xFFFF;
	s2 =	simm.s32 @!p0 $0x1C01  }
0x13c: {  	[timem:s3], [sflag:s2] =	dma.local @!p0 [hbm:s0], s1  }
0x13d: {  	s0 =	simm.s32 @!p0 $0x1  }
0x13e: {  	_ =	swait.ge @!p0 [sflag:s0], s1  }
0x13f: {  	s1 =	ssub.s32 @!p0 $0x0, s1;
	[sflag:s0] =	ssyncset.done @!p0 $0x0  }
0x140: {  	[sflag:s0] =	ssyncadd.s32 @!p0 s1  }
0x141: {  	[bflag:$0x3] =	sbarrier.arrive $0xFFFF  }
0x142: {  	_ =	shalt  }

</sc_bundles>
